<compile_context>
chip_gen: v7x
topology: tpu7x:2x2x1
jax: 0.10.2.dev20260603
libtpu: 0.0.44.dev20260713+nightly
codegen_flags: <defaults>
</compile_context>

<pallas_src>
import functools

import jax
import jax.numpy as jnp
from jax import lax
from jax.experimental import pallas as pl
from jax.experimental.pallas import tpu as pltpu
from jax.experimental.pallas import tpu_sc as plsc

N = 10000
NP = 10240
E = 320000
NC, NS = 2, 16
NW = NC * NS
EPT = E // NW
CHUNK = 80
NCHUNK = EPT // CHUNK
BLK = 1024
GRID = NP // BLK
DROW = NP // 128
FROW = NP * 2 // 128

_mesh = plsc.VectorSubcoreMesh(core_axis_name="c", subcore_axis_name="s",
                               num_cores=NC, num_subcores=NS)
_sc_params = pltpu.CompilerParams(needs_layout_passes=False)


def _zero_fill(ref, nrows, ncols):
    z = jnp.zeros((16,), jnp.float32)
    per_row = ncols // 16

    def body(i, _):
        ref[i // per_row, pl.ds((i % per_row) * 16, 16)] = z
        return 0

    lax.fori_loop(0, nrows * per_row, body, 0)


def _zero_fill1(ref, n):
    z = jnp.zeros((16,), jnp.float32)

    def body(i, _):
        ref[pl.ds(i * 16, 16)] = z
        return 0

    lax.fori_loop(0, n // 16, body, 0)


def _fill_iota_row(ref, n):
    base = lax.iota(jnp.int32, 16)
    for k in range(n // 16):
        ref[0, pl.ds(k * 16, 16)] = base + (k * 16)


def _repack(flat_ref, mat_ref, nrows):
    def body(r, _):
        for k in range(8):
            mat_ref[r, pl.ds(k * 16, 16)] = flat_ref[pl.ds(r * 128 + k * 16, 16)]
        return 0

    lax.fori_loop(0, nrows, body, 0)


@functools.partial(
    pl.kernel,
    out_type=jax.ShapeDtypeStruct((NC, DROW, 128), jnp.float32),
    mesh=_mesh,
    compiler_params=_sc_params,
    scratch_types=[
        pltpu.VMEM((EPT,), jnp.int32),
        pltpu.VMEM((DROW, 128), jnp.float32),
        pltpu.VMEM((1, DROW), jnp.int32),
        pltpu.VMEM_SHARED((DROW, 128), jnp.float32),
    ],
)
def _deg_kernel(dst_hbm, out_hbm, dst_v, hist_v, id_v, acc):
    cid = lax.axis_index("c")
    sid = lax.axis_index("s")
    wid = cid * NS + sid

    pltpu.sync_copy(dst_hbm.at[pl.ds(wid * EPT, EPT)], dst_v)
    _zero_fill(hist_v, DROW, 128)
    _fill_iota_row(id_v, DROW)

    @pl.when(sid < DROW // 16)
    def _():
        pltpu.sync_copy(hist_v.at[pl.ds(sid * 16, 16)],
                        acc.at[pl.ds(sid * 16, 16)])
    plsc.subcore_barrier()

    one = jnp.ones((16,), jnp.float32)

    def body(i, _):
        d = dst_v[pl.ds(i * 16, 16)]
        plsc.addupdate_scatter(hist_v, [d >> 7, d & 127], one)
        return 0

    lax.fori_loop(0, EPT // 16, body, 0)
    pltpu.sync_copy(hist_v, acc.at[id_v.at[0]], add=True)
    plsc.subcore_barrier()

    @pl.when(sid < DROW // 16)
    def _():
        pltpu.sync_copy(acc.at[pl.ds(sid * 16, 16)],
                        out_hbm.at[cid, pl.ds(sid * 16, 16)])


@functools.partial(
    pl.kernel,
    out_type=jax.ShapeDtypeStruct((NC, NP, 128), jnp.float32),
    mesh=_mesh,
    compiler_params=_sc_params,
    scratch_types=[
        pltpu.VMEM((EPT,), jnp.int32),
        pltpu.VMEM((3, CHUNK), jnp.int32),
        pltpu.VMEM((3, CHUNK, 128), jnp.float32),
        pltpu.VMEM_SHARED((NP, 128), jnp.float32),
        pltpu.SemaphoreType.DMA((3,)),
        pltpu.SemaphoreType.DMA((3,)),
        pltpu.SemaphoreType.DMA((3,)),
    ],
)
def _agg128(table_hbm, src_hbm, dst_hbm, out_hbm,
            src_v, dst_v, rows_v, acc, gsem, ssem, dsem):
    cid = lax.axis_index("c")
    sid = lax.axis_index("s")
    wid = cid * NS + sid
    ebase = wid * EPT

    pltpu.sync_copy(src_hbm.at[pl.ds(ebase, EPT)], src_v)
    for b in range(3):
        _zero_fill(rows_v.at[b], CHUNK, 128)
    for k in range(640 // CHUNK):
        pltpu.sync_copy(rows_v.at[0], acc.at[pl.ds(sid * 640 + k * CHUNK, CHUNK)])
    plsc.subcore_barrier()

    def dload(j, b):
        return pltpu.make_async_copy(
            dst_hbm.at[pl.ds(ebase + j * CHUNK, CHUNK)], dst_v.at[b], dsem.at[b])

    def gath(j, b):
        return pltpu.make_async_copy(
            table_hbm.at[src_v.at[pl.ds(j * CHUNK, CHUNK)]], rows_v.at[b],
            gsem.at[b])

    def scat(b):
        return pltpu.make_async_copy(
            rows_v.at[b], acc.at[dst_v.at[b]], ssem.at[b])

    for b in range(2):
        dload(b, b).start()
        gath(b, b).start()

    def body(j, _):
        b = lax.rem(j, 3)
        nb = lax.rem(j + 2, 3)
        gath(j, b).wait()

        @pl.when(j >= 1)
        def _():
            scat(nb).wait()

        @pl.when(j + 2 < NCHUNK)
        def _():
            dload(j + 2, nb).start()
            gath(j + 2, nb).start()

        dload(j, b).wait()
        pltpu.async_copy(rows_v.at[b], acc.at[dst_v.at[b]], ssem.at[b],
                         add=True)
        return 0

    lax.fori_loop(0, NCHUNK, body, 0)
    scat((NCHUNK - 1) % 3).wait()
    plsc.subcore_barrier()

    pltpu.sync_copy(acc.at[pl.ds(sid * 640, 640)],
                    out_hbm.at[cid, pl.ds(sid * 640, 640)])


@functools.partial(
    pl.kernel,
    out_type=jax.ShapeDtypeStruct((NC, FROW, 128), jnp.float32),
    mesh=_mesh,
    compiler_params=_sc_params,
    scratch_types=[
        pltpu.VMEM((EPT,), jnp.int32),
        pltpu.VMEM((EPT,), jnp.int32),
        pltpu.VMEM((NP * 2,), jnp.float32),
        pltpu.VMEM((FROW, 128), jnp.float32),
        pltpu.VMEM((1, FROW), jnp.int32),
        pltpu.VMEM_SHARED((FROW, 128), jnp.float32),
        pltpu.SemaphoreType.DMA((3,)),
    ],
)
def _agg2(table_hbm, src_hbm, dst_hbm, out_hbm,
          src_v, dst_v, tab_v, acc_v, id_v, acc, psem):
    cid = lax.axis_index("c")
    sid = lax.axis_index("s")
    wid = cid * NS + sid

    cp_s = pltpu.make_async_copy(src_hbm.at[pl.ds(wid * EPT, EPT)], src_v,
                                 psem.at[0])
    cp_d = pltpu.make_async_copy(dst_hbm.at[pl.ds(wid * EPT, EPT)], dst_v,
                                 psem.at[1])
    cp_t = pltpu.make_async_copy(table_hbm, tab_v, psem.at[2])
    cp_s.start()
    cp_d.start()
    cp_t.start()
    _zero_fill(acc_v, FROW, 128)
    _fill_iota_row(id_v, FROW)

    @pl.when(sid < FROW // 16)
    def _():
        pltpu.sync_copy(acc_v.at[pl.ds(sid * 16, 16)],
                        acc.at[pl.ds(sid * 16, 16)])
    cp_s.wait()
    cp_d.wait()
    cp_t.wait()
    plsc.subcore_barrier()

    def body(i, _):
        sv = src_v[pl.ds(i * 16, 16)]
        dv = dst_v[pl.ds(i * 16, 16)]
        for c in range(2):
            v = plsc.load_gather(tab_v, [sv + c * NP])
            d = dv + c * NP
            plsc.addupdate_scatter(acc_v, [d >> 7, d & 127], v)
        return 0

    lax.fori_loop(0, EPT // 16, body, 0)
    pltpu.sync_copy(acc_v, acc.at[id_v.at[0]], add=True)
    plsc.subcore_barrier()

    @pl.when(sid < FROW // 16)
    def _():
        pltpu.sync_copy(acc.at[pl.ds(sid * 16, 16)],
                        out_hbm.at[cid, pl.ds(sid * 16, 16)])


def _dinv_grid(deg_ref):
    return lax.rsqrt(deg_ref[0] + deg_ref[1] + 1.0)


def _tc_scale_in(xt_ref, w1_ref, deg_ref, hs_ref):
    dinv3 = _dinv_grid(deg_ref)[:, :, None]
    h = lax.dot_general(xt_ref[...], w1_ref[...], (((0,), (0,)), ((), ())),
                        preferred_element_type=jnp.float32)
    hs_ref[...] = (h.reshape(8, 128, 128) * dinv3).reshape(BLK, 128)


def _tc_mid(p_ref, hs_ref, deg_ref, b1_ref, w2_ref, h2s_ref):
    dinv3 = _dinv_grid(deg_ref)[:, :, None]
    s3 = (p_ref[0] + p_ref[1] + hs_ref[...]).reshape(8, 128, 128)
    t1 = jnp.tanh(s3 * dinv3 + b1_ref[...][None]).reshape(BLK, 128)
    h2 = jnp.dot(t1, w2_ref[...], preferred_element_type=jnp.float32)
    h2t = (h2.T.reshape(2, 8, 128) * _dinv_grid(deg_ref)[None])
    h2s_ref[...] = h2t


def _tc_head(q_ref, h2s_ref, deg_ref, b2_ref, wc_ref, bc_ref, out_ref):
    dinv = _dinv_grid(deg_ref)
    qs = q_ref[0] + q_ref[1] + h2s_ref[...]
    emb = jnp.tanh(qs * dinv[None] + b2_ref[...][:, :, None])
    o = emb[0] * wc_ref[0, 0] + emb[1] * wc_ref[1, 0] + bc_ref[0, 0]
    out_ref[...] = jax.nn.sigmoid(o)


def _full_spec(shape):
    return pl.BlockSpec(shape, lambda i: (0,) * len(shape))


_deg_spec = pl.BlockSpec((NC, 8, 128), lambda i: (0, i, 0))


def kernel(x, edge_index, W1, b1, W2, b2, Wc, bc):
    f32 = jnp.float32
    src = edge_index[0].astype(jnp.int32)
    dst = edge_index[1].astype(jnp.int32)
    b1r = b1.reshape(1, 128)
    b2r = b2.reshape(2, 1)
    bcr = bc.reshape(1, 1)

    deg = _deg_kernel(dst)

    hs = pl.pallas_call(
        _tc_scale_in,
        grid=(GRID,),
        in_specs=[pl.BlockSpec((165, BLK), lambda i: (0, i)),
                  _full_spec((165, 128)), _deg_spec],
        out_specs=pl.BlockSpec((BLK, 128), lambda i: (i, 0)),
        out_shape=jax.ShapeDtypeStruct((NP, 128), f32),
    )(x.T, W1, deg)

    p = _agg128(hs, src, dst)

    h2st = pl.pallas_call(
        _tc_mid,
        grid=(GRID,),
        in_specs=[pl.BlockSpec((NC, BLK, 128), lambda i: (0, i, 0)),
                  pl.BlockSpec((BLK, 128), lambda i: (i, 0)), _deg_spec,
                  _full_spec((1, 128)), _full_spec((128, 2))],
        out_specs=pl.BlockSpec((2, 8, 128), lambda i: (0, i, 0)),
        out_shape=jax.ShapeDtypeStruct((2, DROW, 128), f32),
    )(p, hs, deg, b1r, W2)

    q = _agg2(h2st.reshape(NP * 2), src, dst)
    q4 = q.reshape(NC, 2, DROW, 128)

    out = pl.pallas_call(
        _tc_head,
        grid=(GRID,),
        in_specs=[pl.BlockSpec((NC, 2, 8, 128), lambda i: (0, 0, i, 0)),
                  pl.BlockSpec((2, 8, 128), lambda i: (0, i, 0)), _deg_spec,
                  _full_spec((2, 1)), _full_spec((2, 1)), _full_spec((1, 1))],
        out_specs=pl.BlockSpec((8, 128), lambda i: (i, 0)),
        out_shape=jax.ShapeDtypeStruct((DROW, 128), f32),
    )(q4, h2st, deg, b2r, Wc, bcr)

    return out.reshape(NP)[:N].reshape(N, 1)

# --- scband reference (transcript-rebuilt; emitter-appended) ---
"""Pipeline reference for scband-gcn-11699490914960 (READ-ONLY COPY).

The authoritative reference and input builder live on the scoring server;
editing this copy changes nothing except your own understanding.
"""

import jax, jax.numpy as jnp
import numpy as np

N_NODES = 10000
N_EDGES = 320000

def gcn_conv(x, edge_index, W, b, num_nodes):
    # x' = D^{-1/2} (A + I) D^{-1/2} X W + b  (PyG GCNConv default)
    h = x @ W
    src = edge_index[0]
    dst = edge_index[1]
    loop = jnp.arange(num_nodes, dtype=edge_index.dtype)
    src = jnp.concatenate([src, loop])
    dst = jnp.concatenate([dst, loop])
    deg = jnp.zeros((num_nodes,), dtype=h.dtype).at[dst].add(1.0)
    dinv = 1.0 / jnp.sqrt(deg)
    dinv = jnp.where(jnp.isinf(dinv), 0.0, dinv)
    norm = dinv[src] * dinv[dst]
    msg = h[src] * norm[:, None]
    out = jax.ops.segment_sum(msg, dst, num_segments=num_nodes)
    return out + b

def setup_inputs(seed: int = 0) -> dict:
    key = jax.random.key(seed)
    ks = jax.random.split(key, 9)
    x = jax.random.normal(ks[0], (N_NODES, 165), dtype=jnp.float32)
    edge_index = jax.random.randint(ks[1], (2, N_EDGES), 0, N_NODES, dtype=jnp.int64)
    W1 = jax.random.normal(ks[2], (165, 128), dtype=jnp.float32) * (1.0 / np.sqrt(165))
    b1 = jnp.zeros((128,), dtype=jnp.float32)
    W2 = jax.random.normal(ks[3], (128, 2), dtype=jnp.float32) * (1.0 / np.sqrt(128))
    b2 = jnp.zeros((2,), dtype=jnp.float32)
    Wc = jax.random.normal(ks[4], (2, 1), dtype=jnp.float32) * (1.0 / np.sqrt(2))
    bc = jnp.zeros((1,), dtype=jnp.float32)
    return {"x": x, "edge_index": edge_index, "W1": W1, "b1": b1, "W2": W2, "b2": b2, "Wc": Wc, "bc": bc}

def reference(x, edge_index, W1, b1, W2, b2, Wc, bc):
    num_nodes = x.shape[0]
    h = gcn_conv(x, edge_index, W1, b1, num_nodes)
    h = jnp.tanh(h)
    # dropout is identity in eval mode
    h = gcn_conv(h, edge_index, W2, b2, num_nodes)
    emb = jnp.tanh(h)
    out = emb @ Wc + bc
    return jax.nn.sigmoid(out)

if __name__ == "__main__":
    import jax
    _d = setup_inputs()
    print(jax.jit(kernel)(*tuple(_d.values())))

</pallas_src>

<mosaic_0001>
#map = affine_map<(d0, d1) -> (0, 0)>
#map1 = affine_map<(d0, d1) -> (0)>
#map2 = affine_map<(d0, d1) -> (0, 0, 0)>
module attributes {stable_mosaic.version = 14 : i64} {
  func.func @_agg128(%arg0: i32, %arg1: i32, %arg2: memref<10240x128xf32, #tpu.memory_space<hbm>>, %arg3: memref<320000xi32, #tpu.memory_space<hbm>>, %arg4: memref<320000xi32, #tpu.memory_space<hbm>>, %arg5: memref<2x10240x128xf32, #tpu.memory_space<hbm>>, %arg6: memref<10000xi32, #tpu.memory_space<vmem>>, %arg7: memref<3x80xi32, #tpu.memory_space<vmem>>, %arg8: memref<3x80x128xf32, #tpu.memory_space<vmem>>, %arg9: memref<10240x128xf32, #tpu.memory_space<vmem_shared>>, %arg10: memref<3x!tpu.dma_semaphore, #tpu.memory_space<semaphore_mem>>, %arg11: memref<3x!tpu.dma_semaphore, #tpu.memory_space<semaphore_mem>>, %arg12: memref<3x!tpu.dma_semaphore, #tpu.memory_space<semaphore_mem>>) attributes {dimension_semantics = [#tpu.dimension_semantics<core_parallel>, #tpu.dimension_semantics<subcore_parallel>], iteration_bounds = array<i64: 2, 16>, scalar_prefetch = 0 : i64, scratch_operands = 7 : i64, tpu.core_type = #tpu.core_type<sc_vector_subcore>, window_params = [{transform_indices = #map}, {transform_indices = #map1}, {transform_indices = #map1}, {transform_indices = #map2}]} {
    %mul3A = arith.constant 16 : i32
    %mul3A_0 = arith.muli %arg0, %mul3A : i32
    %add3A = arith.addi %mul3A_0, %arg1 : i32
    %mul3A_1 = arith.constant 10000 : i32
    %mul3A_2 = arith.muli %add3A, %mul3A_1 : i32
    "tpu.region"() ({
      %run_scoped3A_149 = tpu.sem_alloc : memref<!tpu.dma_semaphore, #tpu.memory_space<semaphore_mem>>
      %dma_start3A_150 = tpu.memref_slice %arg3[%mul3A_2] : memref<320000xi32, #tpu.memory_space<hbm>> -> memref<10000xi32, #tpu.memory_space<hbm>>
      %dma_start3A_151 = tpu.memref_slice %arg3[%mul3A_2] : memref<320000xi32, #tpu.memory_space<hbm>> -> memref<10000xi32, #tpu.memory_space<hbm>>
      tpu.enqueue_dma source(%dma_start3A_151 : memref<10000xi32, #tpu.memory_space<hbm>>) target(%arg6 : memref<10000xi32, #tpu.memory_space<vmem>>) target_semaphore(%run_scoped3A_149 : memref<!tpu.dma_semaphore, #tpu.memory_space<semaphore_mem>>)
      %dma_wait3A_152 = tpu.memref_slice %arg3[%mul3A_2] : memref<320000xi32, #tpu.memory_space<hbm>> -> memref<10000xi32, #tpu.memory_space<hbm>>
      %dma_wait3A_153 = tpu.memref_slice %arg3[%mul3A_2] : memref<320000xi32, #tpu.memory_space<hbm>> -> memref<10000xi32, #tpu.memory_space<hbm>>
      tpu.wait_dma2 semaphore(%run_scoped3A_149 : memref<!tpu.dma_semaphore, #tpu.memory_space<semaphore_mem>>) src(%dma_wait3A_153 : memref<10000xi32, #tpu.memory_space<hbm>>) dst(%arg6 : memref<10000xi32, #tpu.memory_space<vmem>>)
      tpu.yield
    }) : () -> ()
    %broadcast_in_dim3A = arith.constant 0.000000e+00 : f32
    %broadcast_in_dim3A_3 = vector.broadcast %broadcast_in_dim3A : f32 to vector<16xf32>
    %scan3A = arith.constant 0 : i32
    %scan3A_4 = arith.constant 0 : i32
    %scan3A_5 = arith.constant 0 : i32
    %scan3A_6 = arith.constant 640 : i32
    %scan3A_7 = arith.addi %scan3A_5, %scan3A_6 : i32
    %scan3A_8 = arith.constant 1 : i32
    %scan3A_9 = scf.for %scan3A_149 = %scan3A_5 to %scan3A_7 step %scan3A_8 iter_args(%scan3A_150 = %scan3A_4) -> (i32)  : i32 {
      %jit3A = arith.constant 8 : i32
      %div3A = arith.divsi %scan3A_149, %jit3A : i32
      %sign3A = arith.constant 0 : i32
      %sign3A_151 = arith.cmpi sgt, %scan3A_149, %sign3A : i32
      %sign3A_152 = arith.extui %sign3A_151 : i1 to i32
      %sign3A_153 = arith.constant 0 : i32
      %sign3A_154 = arith.cmpi slt, %scan3A_149, %sign3A_153 : i32
      %sign3A_155 = arith.extui %sign3A_154 : i1 to i32
      %sign3A_156 = arith.subi %sign3A_152, %sign3A_155 : i32
      %sign3A_157 = arith.constant 0 : i32
      %sign3A_158 = arith.cmpi sgt, %jit3A, %sign3A_157 : i32
      %sign3A_159 = arith.extui %sign3A_158 : i1 to i32
      %sign3A_160 = arith.constant 0 : i32
      %sign3A_161 = arith.cmpi slt, %jit3A, %sign3A_160 : i32
      %sign3A_162 = arith.extui %sign3A_161 : i1 to i32
      %sign3A_163 = arith.subi %sign3A_159, %sign3A_162 : i32
      %ne3A = arith.cmpi ne, %sign3A_156, %sign3A_163 : i32
      %rem3A = arith.remsi %scan3A_149, %jit3A : i32
      %ne3A_164 = arith.constant 0 : i32
      %ne3A_165 = arith.cmpi ne, %rem3A, %ne3A_164 : i32
      %and3A = arith.andi %ne3A, %ne3A_165 : i1
      %sub3A = arith.constant 1 : i32
      %sub3A_166 = arith.subi %div3A, %sub3A : i32
      %select_n3A = arith.select %and3A, %sub3A_166, %div3A : i32
      %jit3A_167 = arith.constant 8 : i32
      %eq3A = arith.constant 0 : i32
      %eq3A_168 = arith.cmpi eq, %jit3A_167, %eq3A : i32
      %jit3A_169 = arith.constant 1 : i32
      %select_n3A_170 = arith.select %eq3A_168, %jit3A_169, %jit3A_167 : i32
      %rem3A_171 = arith.remsi %scan3A_149, %select_n3A_170 : i32
      %ne3A_172 = arith.constant 0 : i32
      %ne3A_173 = arith.cmpi ne, %rem3A_171, %ne3A_172 : i32
      %lt3A = arith.constant 0 : i32
      %lt3A_174 = arith.cmpi slt, %rem3A_171, %lt3A : i32
      %lt3A_175 = arith.constant 0 : i32
      %lt3A_176 = arith.cmpi slt, %select_n3A_170, %lt3A_175 : i32
      %ne3A_177 = arith.xori %lt3A_174, %lt3A_176 : i1
      %and3A_178 = arith.andi %ne3A_177, %ne3A_173 : i1
      %add3A_179 = arith.addi %rem3A_171, %select_n3A_170 : i32
      %select_n3A_180 = arith.select %and3A_178, %add3A_179, %rem3A_171 : i32
      %mul3A_181 = arith.constant 16 : i32
      %mul3A_182 = arith.muli %select_n3A_180, %mul3A_181 : i32
      %swap3A = arith.constant 0 : i32
      %swap3A_183 = arith.constant 0 : i32
      %swap3A_184 = tpu.memref_slice %arg8[%scan3A, %swap3A, %swap3A_183] : memref<3x80x128xf32, #tpu.memory_space<vmem>> -> memref<1x80x128xf32, #tpu.memory_space<vmem>>
      %swap3A_185 = tpu.memref_squeeze %swap3A_184 : memref<1x80x128xf32, #tpu.memory_space<vmem>> -> memref<80x128xf32, #tpu.memory_space<vmem>>
      %swap3A_186 = arith.index_cast %select_n3A : i32 to index
      %swap3A_187 = arith.index_cast %mul3A_182 : i32 to index
      %swap3A_188 = tpu.vector_load %swap3A_185[%swap3A_186, %swap3A_187] {strides = array<i32>} : memref<80x128xf32, #tpu.memory_space<vmem>>, vector<16xf32>,
      tpu.vector_store %swap3A_185[%swap3A_186, %swap3A_187], %broadcast_in_dim3A_3 {strides = array<i32>} : memref<80x128xf32, #tpu.memory_space<vmem>>, vector<16xf32>,
      %scan3A_189 = arith.constant 0 : i32
      scf.yield %scan3A_189 : i32
    }
    %scan3A_10 = arith.constant 640 : i32
    %broadcast_in_dim3A_11 = arith.constant 0.000000e+00 : f32
    %broadcast_in_dim3A_12 = vector.broadcast %broadcast_in_dim3A_11 : f32 to vector<16xf32>
    %scan3A_13 = arith.constant 1 : i32
    %scan3A_14 = arith.constant 0 : i32
    %scan3A_15 = arith.constant 0 : i32
    %scan3A_16 = arith.constant 640 : i32
    %scan3A_17 = arith.addi %scan3A_15, %scan3A_16 : i32
    %scan3A_18 = arith.constant 1 : i32
    %scan3A_19 = scf.for %scan3A_149 = %scan3A_15 to %scan3A_17 step %scan3A_18 iter_args(%scan3A_150 = %scan3A_14) -> (i32)  : i32 {
      %jit3A = arith.constant 8 : i32
      %div3A = arith.divsi %scan3A_149, %jit3A : i32
      %sign3A = arith.constant 0 : i32
      %sign3A_151 = arith.cmpi sgt, %scan3A_149, %sign3A : i32
      %sign3A_152 = arith.extui %sign3A_151 : i1 to i32
      %sign3A_153 = arith.constant 0 : i32
      %sign3A_154 = arith.cmpi slt, %scan3A_149, %sign3A_153 : i32
      %sign3A_155 = arith.extui %sign3A_154 : i1 to i32
      %sign3A_156 = arith.subi %sign3A_152, %sign3A_155 : i32
      %sign3A_157 = arith.constant 0 : i32
      %sign3A_158 = arith.cmpi sgt, %jit3A, %sign3A_157 : i32
      %sign3A_159 = arith.extui %sign3A_158 : i1 to i32
      %sign3A_160 = arith.constant 0 : i32
      %sign3A_161 = arith.cmpi slt, %jit3A, %sign3A_160 : i32
      %sign3A_162 = arith.extui %sign3A_161 : i1 to i32
      %sign3A_163 = arith.subi %sign3A_159, %sign3A_162 : i32
      %ne3A = arith.cmpi ne, %sign3A_156, %sign3A_163 : i32
      %rem3A = arith.remsi %scan3A_149, %jit3A : i32
      %ne3A_164 = arith.constant 0 : i32
      %ne3A_165 = arith.cmpi ne, %rem3A, %ne3A_164 : i32
      %and3A = arith.andi %ne3A, %ne3A_165 : i1
      %sub3A = arith.constant 1 : i32
      %sub3A_166 = arith.subi %div3A, %sub3A : i32
      %select_n3A = arith.select %and3A, %sub3A_166, %div3A : i32
      %jit3A_167 = arith.constant 8 : i32
      %eq3A = arith.constant 0 : i32
      %eq3A_168 = arith.cmpi eq, %jit3A_167, %eq3A : i32
      %jit3A_169 = arith.constant 1 : i32
      %select_n3A_170 = arith.select %eq3A_168, %jit3A_169, %jit3A_167 : i32
      %rem3A_171 = arith.remsi %scan3A_149, %select_n3A_170 : i32
      %ne3A_172 = arith.constant 0 : i32
      %ne3A_173 = arith.cmpi ne, %rem3A_171, %ne3A_172 : i32
      %lt3A = arith.constant 0 : i32
      %lt3A_174 = arith.cmpi slt, %rem3A_171, %lt3A : i32
      %lt3A_175 = arith.constant 0 : i32
      %lt3A_176 = arith.cmpi slt, %select_n3A_170, %lt3A_175 : i32
      %ne3A_177 = arith.xori %lt3A_174, %lt3A_176 : i1
      %and3A_178 = arith.andi %ne3A_177, %ne3A_173 : i1
      %add3A_179 = arith.addi %rem3A_171, %select_n3A_170 : i32
      %select_n3A_180 = arith.select %and3A_178, %add3A_179, %rem3A_171 : i32
      %mul3A_181 = arith.constant 16 : i32
      %mul3A_182 = arith.muli %select_n3A_180, %mul3A_181 : i32
      %swap3A = arith.constant 0 : i32
      %swap3A_183 = arith.constant 0 : i32
      %swap3A_184 = tpu.memref_slice %arg8[%scan3A_13, %swap3A, %swap3A_183] : memref<3x80x128xf32, #tpu.memory_space<vmem>> -> memref<1x80x128xf32, #tpu.memory_space<vmem>>
      %swap3A_185 = tpu.memref_squeeze %swap3A_184 : memref<1x80x128xf32, #tpu.memory_space<vmem>> -> memref<80x128xf32, #tpu.memory_space<vmem>>
      %swap3A_186 = arith.index_cast %select_n3A : i32 to index
      %swap3A_187 = arith.index_cast %mul3A_182 : i32 to index
      %swap3A_188 = tpu.vector_load %swap3A_185[%swap3A_186, %swap3A_187] {strides = array<i32>} : memref<80x128xf32, #tpu.memory_space<vmem>>, vector<16xf32>,
      tpu.vector_store %swap3A_185[%swap3A_186, %swap3A_187], %broadcast_in_dim3A_12 {strides = array<i32>} : memref<80x128xf32, #tpu.memory_space<vmem>>, vector<16xf32>,
      %scan3A_189 = arith.constant 0 : i32
      scf.yield %scan3A_189 : i32
    }
    %scan3A_20 = arith.constant 640 : i32
    %broadcast_in_dim3A_21 = arith.constant 0.000000e+00 : f32
    %broadcast_in_dim3A_22 = vector.broadcast %broadcast_in_dim3A_21 : f32 to vector<16xf32>
    %scan3A_23 = arith.constant 2 : i32
    %scan3A_24 = arith.constant 0 : i32
    %scan3A_25 = arith.constant 0 : i32
    %scan3A_26 = arith.constant 640 : i32
    %scan3A_27 = arith.addi %scan3A_25, %scan3A_26 : i32
    %scan3A_28 = arith.constant 1 : i32
    %scan3A_29 = scf.for %scan3A_149 = %scan3A_25 to %scan3A_27 step %scan3A_28 iter_args(%scan3A_150 = %scan3A_24) -> (i32)  : i32 {
      %jit3A = arith.constant 8 : i32
      %div3A = arith.divsi %scan3A_149, %jit3A : i32
      %sign3A = arith.constant 0 : i32
      %sign3A_151 = arith.cmpi sgt, %scan3A_149, %sign3A : i32
      %sign3A_152 = arith.extui %sign3A_151 : i1 to i32
      %sign3A_153 = arith.constant 0 : i32
      %sign3A_154 = arith.cmpi slt, %scan3A_149, %sign3A_153 : i32
      %sign3A_155 = arith.extui %sign3A_154 : i1 to i32
      %sign3A_156 = arith.subi %sign3A_152, %sign3A_155 : i32
      %sign3A_157 = arith.constant 0 : i32
      %sign3A_158 = arith.cmpi sgt, %jit3A, %sign3A_157 : i32
      %sign3A_159 = arith.extui %sign3A_158 : i1 to i32
      %sign3A_160 = arith.constant 0 : i32
      %sign3A_161 = arith.cmpi slt, %jit3A, %sign3A_160 : i32
      %sign3A_162 = arith.extui %sign3A_161 : i1 to i32
      %sign3A_163 = arith.subi %sign3A_159, %sign3A_162 : i32
      %ne3A = arith.cmpi ne, %sign3A_156, %sign3A_163 : i32
      %rem3A = arith.remsi %scan3A_149, %jit3A : i32
      %ne3A_164 = arith.constant 0 : i32
      %ne3A_165 = arith.cmpi ne, %rem3A, %ne3A_164 : i32
      %and3A = arith.andi %ne3A, %ne3A_165 : i1
      %sub3A = arith.constant 1 : i32
      %sub3A_166 = arith.subi %div3A, %sub3A : i32
      %select_n3A = arith.select %and3A, %sub3A_166, %div3A : i32
      %jit3A_167 = arith.constant 8 : i32
      %eq3A = arith.constant 0 : i32
      %eq3A_168 = arith.cmpi eq, %jit3A_167, %eq3A : i32
      %jit3A_169 = arith.constant 1 : i32
      %select_n3A_170 = arith.select %eq3A_168, %jit3A_169, %jit3A_167 : i32
      %rem3A_171 = arith.remsi %scan3A_149, %select_n3A_170 : i32
      %ne3A_172 = arith.constant 0 : i32
      %ne3A_173 = arith.cmpi ne, %rem3A_171, %ne3A_172 : i32
      %lt3A = arith.constant 0 : i32
      %lt3A_174 = arith.cmpi slt, %rem3A_171, %lt3A : i32
      %lt3A_175 = arith.constant 0 : i32
      %lt3A_176 = arith.cmpi slt, %select_n3A_170, %lt3A_175 : i32
      %ne3A_177 = arith.xori %lt3A_174, %lt3A_176 : i1
      %and3A_178 = arith.andi %ne3A_177, %ne3A_173 : i1
      %add3A_179 = arith.addi %rem3A_171, %select_n3A_170 : i32
      %select_n3A_180 = arith.select %and3A_178, %add3A_179, %rem3A_171 : i32
      %mul3A_181 = arith.constant 16 : i32
      %mul3A_182 = arith.muli %select_n3A_180, %mul3A_181 : i32
      %swap3A = arith.constant 0 : i32
      %swap3A_183 = arith.constant 0 : i32
      %swap3A_184 = tpu.memref_slice %arg8[%scan3A_23, %swap3A, %swap3A_183] : memref<3x80x128xf32, #tpu.memory_space<vmem>> -> memref<1x80x128xf32, #tpu.memory_space<vmem>>
      %swap3A_185 = tpu.memref_squeeze %swap3A_184 : memref<1x80x128xf32, #tpu.memory_space<vmem>> -> memref<80x128xf32, #tpu.memory_space<vmem>>
      %swap3A_186 = arith.index_cast %select_n3A : i32 to index
      %swap3A_187 = arith.index_cast %mul3A_182 : i32 to index
      %swap3A_188 = tpu.vector_load %swap3A_185[%swap3A_186, %swap3A_187] {strides = array<i32>} : memref<80x128xf32, #tpu.memory_space<vmem>>, vector<16xf32>,
      tpu.vector_store %swap3A_185[%swap3A_186, %swap3A_187], %broadcast_in_dim3A_22 {strides = array<i32>} : memref<80x128xf32, #tpu.memory_space<vmem>>, vector<16xf32>,
      %scan3A_189 = arith.constant 0 : i32
      scf.yield %scan3A_189 : i32
    }
    %scan3A_30 = arith.constant 640 : i32
    %mul3A_31 = arith.constant 640 : i32
    %mul3A_32 = arith.muli %arg1, %mul3A_31 : i32
    %add3A_33 = arith.constant 0 : i32
    %add3A_34 = arith.addi %mul3A_32, %add3A_33 : i32
    %run_scoped3A = arith.constant 0 : i32
    "tpu.region"() ({
      %run_scoped3A_149 = tpu.sem_alloc : memref<!tpu.dma_semaphore, #tpu.memory_space<semaphore_mem>>
      %dma_start3A_150 = arith.constant 0 : i32
      %dma_start3A_151 = arith.constant 0 : i32
      %dma_start3A_152 = tpu.memref_slice %arg8[%run_scoped3A, %dma_start3A_150, %dma_start3A_151] : memref<3x80x128xf32, #tpu.memory_space<vmem>> -> memref<1x80x128xf32, #tpu.memory_space<vmem>>
      %dma_start3A_153 = tpu.memref_squeeze %dma_start3A_152 : memref<1x80x128xf32, #tpu.memory_space<vmem>> -> memref<80x128xf32, #tpu.memory_space<vmem>>
      %dma_start3A_154 = arith.constant 0 : i32
      %dma_start3A_155 = tpu.memref_slice %arg9[%add3A_34, %dma_start3A_154] : memref<10240x128xf32, #tpu.memory_space<vmem_shared>> -> memref<80x128xf32, #tpu.memory_space<vmem_shared>>
      %dma_start3A_156 = arith.constant 0 : i32
      %dma_start3A_157 = tpu.memref_slice %arg9[%add3A_34, %dma_start3A_156] : memref<10240x128xf32, #tpu.memory_space<vmem_shared>> -> memref<80x128xf32, #tpu.memory_space<vmem_shared>>
      %dma_start3A_158 = arith.constant 0 : i32
      %dma_start3A_159 = arith.constant 0 : i32
      %dma_start3A_160 = tpu.memref_slice %arg8[%run_scoped3A, %dma_start3A_158, %dma_start3A_159] : memref<3x80x128xf32, #tpu.memory_space<vmem>> -> memref<1x80x128xf32, #tpu.memory_space<vmem>>
      %dma_start3A_161 = tpu.memref_squeeze %dma_start3A_160 : memref<1x80x128xf32, #tpu.memory_space<vmem>> -> memref<80x128xf32, #tpu.memory_space<vmem>>
      tpu.enqueue_dma source(%dma_start3A_161 : memref<80x128xf32, #tpu.memory_space<vmem>>) target(%dma_start3A_157 : memref<80x128xf32, #tpu.memory_space<vmem_shared>>) target_semaphore(%run_scoped3A_149 : memref<!tpu.dma_semaphore, #tpu.memory_space<semaphore_mem>>)
      %dma_wait3A_162 = arith.constant 0 : i32
      %dma_wait3A_163 = arith.constant 0 : i32
      %dma_wait3A_164 = tpu.memref_slice %arg8[%run_scoped3A, %dma_wait3A_162, %dma_wait3A_163] : memref<3x80x128xf32, #tpu.memory_space<vmem>> -> memref<1x80x128xf32, #tpu.memory_space<vmem>>
      %dma_wait3A_165 = tpu.memref_squeeze %dma_wait3A_164 : memref<1x80x128xf32, #tpu.memory_space<vmem>> -> memref<80x128xf32, #tpu.memory_space<vmem>>
      %dma_wait3A_166 = arith.constant 0 : i32
      %dma_wait3A_167 = tpu.memref_slice %arg9[%add3A_34, %dma_wait3A_166] : memref<10240x128xf32, #tpu.memory_space<vmem_shared>> -> memref<80x128xf32, #tpu.memory_space<vmem_shared>>
      %dma_wait3A_168 = arith.constant 0 : i32
      %dma_wait3A_169 = tpu.memref_slice %arg9[%add3A_34, %dma_wait3A_168] : memref<10240x128xf32, #tpu.memory_space<vmem_shared>> -> memref<80x128xf32, #tpu.memory_space<vmem_shared>>
      %dma_wait3A_170 = arith.constant 0 : i32
      %dma_wait3A_171 = arith.constant 0 : i32
      %dma_wait3A_172 = tpu.memref_slice %arg8[%run_scoped3A, %dma_wait3A_170, %dma_wait3A_171] : memref<3x80x128xf32, #tpu.memory_space<vmem>> -> memref<1x80x128xf32, #tpu.memory_space<vmem>>
      %dma_wait3A_173 = tpu.memref_squeeze %dma_wait3A_172 : memref<1x80x128xf32, #tpu.memory_space<vmem>> -> memref<80x128xf32, #tpu.memory_space<vmem>>
      tpu.wait_dma2 semaphore(%run_scoped3A_149 : memref<!tpu.dma_semaphore, #tpu.memory_space<semaphore_mem>>) src(%dma_wait3A_173 : memref<80x128xf32, #tpu.memory_space<vmem>>) dst(%dma_wait3A_169 : memref<80x128xf32, #tpu.memory_space<vmem_shared>>)
      tpu.yield
    }) : () -> ()
    %mul3A_35 = arith.constant 640 : i32
    %mul3A_36 = arith.muli %arg1, %mul3A_35 : i32
    %add3A_37 = arith.constant 80 : i32
    %add3A_38 = arith.addi %mul3A_36, %add3A_37 : i32
    %run_scoped3A_39 = arith.constant 0 : i32
    "tpu.region"() ({
      %run_scoped3A_149 = tpu.sem_alloc : memref<!tpu.dma_semaphore, #tpu.memory_space<semaphore_mem>>
      %dma_start3A_150 = arith.constant 0 : i32
      %dma_start3A_151 = arith.constant 0 : i32
      %dma_start3A_152 = tpu.memref_slice %arg8[%run_scoped3A_39, %dma_start3A_150, %dma_start3A_151] : memref<3x80x128xf32, #tpu.memory_space<vmem>> -> memref<1x80x128xf32, #tpu.memory_space<vmem>>
      %dma_start3A_153 = tpu.memref_squeeze %dma_start3A_152 : memref<1x80x128xf32, #tpu.memory_space<vmem>> -> memref<80x128xf32, #tpu.memory_space<vmem>>
      %dma_start3A_154 = arith.constant 0 : i32
      %dma_start3A_155 = tpu.memref_slice %arg9[%add3A_38, %dma_start3A_154] : memref<10240x128xf32, #tpu.memory_space<vmem_shared>> -> memref<80x128xf32, #tpu.memory_space<vmem_shared>>
      %dma_start3A_156 = arith.constant 0 : i32
      %dma_start3A_157 = tpu.memref_slice %arg9[%add3A_38, %dma_start3A_156] : memref<10240x128xf32, #tpu.memory_space<vmem_shared>> -> memref<80x128xf32, #tpu.memory_space<vmem_shared>>
      %dma_start3A_158 = arith.constant 0 : i32
      %dma_start3A_159 = arith.constant 0 : i32
      %dma_start3A_160 = tpu.memref_slice %arg8[%run_scoped3A_39, %dma_start3A_158, %dma_start3A_159] : memref<3x80x128xf32, #tpu.memory_space<vmem>> -> memref<1x80x128xf32, #tpu.memory_space<vmem>>
      %dma_start3A_161 = tpu.memref_squeeze %dma_start3A_160 : memref<1x80x128xf32, #tpu.memory_space<vmem>> -> memref<80x128xf32, #tpu.memory_space<vmem>>
      tpu.enqueue_dma source(%dma_start3A_161 : memref<80x128xf32, #tpu.memory_space<vmem>>) target(%dma_start3A_157 : memref<80x128xf32, #tpu.memory_space<vmem_shared>>) target_semaphore(%run_scoped3A_149 : memref<!tpu.dma_semaphore, #tpu.memory_space<semaphore_mem>>)
      %dma_wait3A_162 = arith.constant 0 : i32
      %dma_wait3A_163 = arith.constant 0 : i32
      %dma_wait3A_164 = tpu.memref_slice %arg8[%run_scoped3A_39, %dma_wait3A_162, %dma_wait3A_163] : memref<3x80x128xf32, #tpu.memory_space<vmem>> -> memref<1x80x128xf32, #tpu.memory_space<vmem>>
      %dma_wait3A_165 = tpu.memref_squeeze %dma_wait3A_164 : memref<1x80x128xf32, #tpu.memory_space<vmem>> -> memref<80x128xf32, #tpu.memory_space<vmem>>
      %dma_wait3A_166 = arith.constant 0 : i32
      %dma_wait3A_167 = tpu.memref_slice %arg9[%add3A_38, %dma_wait3A_166] : memref<10240x128xf32, #tpu.memory_space<vmem_shared>> -> memref<80x128xf32, #tpu.memory_space<vmem_shared>>
      %dma_wait3A_168 = arith.constant 0 : i32
      %dma_wait3A_169 = tpu.memref_slice %arg9[%add3A_38, %dma_wait3A_168] : memref<10240x128xf32, #tpu.memory_space<vmem_shared>> -> memref<80x128xf32, #tpu.memory_space<vmem_shared>>
      %dma_wait3A_170 = arith.constant 0 : i32
      %dma_wait3A_171 = arith.constant 0 : i32
      %dma_wait3A_172 = tpu.memref_slice %arg8[%run_scoped3A_39, %dma_wait3A_170, %dma_wait3A_171] : memref<3x80x128xf32, #tpu.memory_space<vmem>> -> memref<1x80x128xf32, #tpu.memory_space<vmem>>
      %dma_wait3A_173 = tpu.memref_squeeze %dma_wait3A_172 : memref<1x80x128xf32, #tpu.memory_space<vmem>> -> memref<80x128xf32, #tpu.memory_space<vmem>>
      tpu.wait_dma2 semaphore(%run_scoped3A_149 : memref<!tpu.dma_semaphore, #tpu.memory_space<semaphore_mem>>) src(%dma_wait3A_173 : memref<80x128xf32, #tpu.memory_space<vmem>>) dst(%dma_wait3A_169 : memref<80x128xf32, #tpu.memory_space<vmem_shared>>)
      tpu.yield
    }) : () -> ()
    %mul3A_40 = arith.constant 640 : i32
    %mul3A_41 = arith.muli %arg1, %mul3A_40 : i32
    %add3A_42 = arith.constant 160 : i32
    %add3A_43 = arith.addi %mul3A_41, %add3A_42 : i32
    %run_scoped3A_44 = arith.constant 0 : i32
    "tpu.region"() ({
      %run_scoped3A_149 = tpu.sem_alloc : memref<!tpu.dma_semaphore, #tpu.memory_space<semaphore_mem>>
      %dma_start3A_150 = arith.constant 0 : i32
      %dma_start3A_151 = arith.constant 0 : i32
      %dma_start3A_152 = tpu.memref_slice %arg8[%run_scoped3A_44, %dma_start3A_150, %dma_start3A_151] : memref<3x80x128xf32, #tpu.memory_space<vmem>> -> memref<1x80x128xf32, #tpu.memory_space<vmem>>
      %dma_start3A_153 = tpu.memref_squeeze %dma_start3A_152 : memref<1x80x128xf32, #tpu.memory_space<vmem>> -> memref<80x128xf32, #tpu.memory_space<vmem>>
      %dma_start3A_154 = arith.constant 0 : i32
      %dma_start3A_155 = tpu.memref_slice %arg9[%add3A_43, %dma_start3A_154] : memref<10240x128xf32, #tpu.memory_space<vmem_shared>> -> memref<80x128xf32, #tpu.memory_space<vmem_shared>>
      %dma_start3A_156 = arith.constant 0 : i32
      %dma_start3A_157 = tpu.memref_slice %arg9[%add3A_43, %dma_start3A_156] : memref<10240x128xf32, #tpu.memory_space<vmem_shared>> -> memref<80x128xf32, #tpu.memory_space<vmem_shared>>
      %dma_start3A_158 = arith.constant 0 : i32
      %dma_start3A_159 = arith.constant 0 : i32
      %dma_start3A_160 = tpu.memref_slice %arg8[%run_scoped3A_44, %dma_start3A_158, %dma_start3A_159] : memref<3x80x128xf32, #tpu.memory_space<vmem>> -> memref<1x80x128xf32, #tpu.memory_space<vmem>>
      %dma_start3A_161 = tpu.memref_squeeze %dma_start3A_160 : memref<1x80x128xf32, #tpu.memory_space<vmem>> -> memref<80x128xf32, #tpu.memory_space<vmem>>
      tpu.enqueue_dma source(%dma_start3A_161 : memref<80x128xf32, #tpu.memory_space<vmem>>) target(%dma_start3A_157 : memref<80x128xf32, #tpu.memory_space<vmem_shared>>) target_semaphore(%run_scoped3A_149 : memref<!tpu.dma_semaphore, #tpu.memory_space<semaphore_mem>>)
      %dma_wait3A_162 = arith.constant 0 : i32
      %dma_wait3A_163 = arith.constant 0 : i32
      %dma_wait3A_164 = tpu.memref_slice %arg8[%run_scoped3A_44, %dma_wait3A_162, %dma_wait3A_163] : memref<3x80x128xf32, #tpu.memory_space<vmem>> -> memref<1x80x128xf32, #tpu.memory_space<vmem>>
      %dma_wait3A_165 = tpu.memref_squeeze %dma_wait3A_164 : memref<1x80x128xf32, #tpu.memory_space<vmem>> -> memref<80x128xf32, #tpu.memory_space<vmem>>
      %dma_wait3A_166 = arith.constant 0 : i32
      %dma_wait3A_167 = tpu.memref_slice %arg9[%add3A_43, %dma_wait3A_166] : memref<10240x128xf32, #tpu.memory_space<vmem_shared>> -> memref<80x128xf32, #tpu.memory_space<vmem_shared>>
      %dma_wait3A_168 = arith.constant 0 : i32
      %dma_wait3A_169 = tpu.memref_slice %arg9[%add3A_43, %dma_wait3A_168] : memref<10240x128xf32, #tpu.memory_space<vmem_shared>> -> memref<80x128xf32, #tpu.memory_space<vmem_shared>>
      %dma_wait3A_170 = arith.constant 0 : i32
      %dma_wait3A_171 = arith.constant 0 : i32
      %dma_wait3A_172 = tpu.memref_slice %arg8[%run_scoped3A_44, %dma_wait3A_170, %dma_wait3A_171] : memref<3x80x128xf32, #tpu.memory_space<vmem>> -> memref<1x80x128xf32, #tpu.memory_space<vmem>>
      %dma_wait3A_173 = tpu.memref_squeeze %dma_wait3A_172 : memref<1x80x128xf32, #tpu.memory_space<vmem>> -> memref<80x128xf32, #tpu.memory_space<vmem>>
      tpu.wait_dma2 semaphore(%run_scoped3A_149 : memref<!tpu.dma_semaphore, #tpu.memory_space<semaphore_mem>>) src(%dma_wait3A_173 : memref<80x128xf32, #tpu.memory_space<vmem>>) dst(%dma_wait3A_169 : memref<80x128xf32, #tpu.memory_space<vmem_shared>>)
      tpu.yield
    }) : () -> ()
    %mul3A_45 = arith.constant 640 : i32
    %mul3A_46 = arith.muli %arg1, %mul3A_45 : i32
    %add3A_47 = arith.constant 240 : i32
    %add3A_48 = arith.addi %mul3A_46, %add3A_47 : i32
    %run_scoped3A_49 = arith.constant 0 : i32
    "tpu.region"() ({
      %run_scoped3A_149 = tpu.sem_alloc : memref<!tpu.dma_semaphore, #tpu.memory_space<semaphore_mem>>
      %dma_start3A_150 = arith.constant 0 : i32
      %dma_start3A_151 = arith.constant 0 : i32
      %dma_start3A_152 = tpu.memref_slice %arg8[%run_scoped3A_49, %dma_start3A_150, %dma_start3A_151] : memref<3x80x128xf32, #tpu.memory_space<vmem>> -> memref<1x80x128xf32, #tpu.memory_space<vmem>>
      %dma_start3A_153 = tpu.memref_squeeze %dma_start3A_152 : memref<1x80x128xf32, #tpu.memory_space<vmem>> -> memref<80x128xf32, #tpu.memory_space<vmem>>
      %dma_start3A_154 = arith.constant 0 : i32
      %dma_start3A_155 = tpu.memref_slice %arg9[%add3A_48, %dma_start3A_154] : memref<10240x128xf32, #tpu.memory_space<vmem_shared>> -> memref<80x128xf32, #tpu.memory_space<vmem_shared>>
      %dma_start3A_156 = arith.constant 0 : i32
      %dma_start3A_157 = tpu.memref_slice %arg9[%add3A_48, %dma_start3A_156] : memref<10240x128xf32, #tpu.memory_space<vmem_shared>> -> memref<80x128xf32, #tpu.memory_space<vmem_shared>>
      %dma_start3A_158 = arith.constant 0 : i32
      %dma_start3A_159 = arith.constant 0 : i32
      %dma_start3A_160 = tpu.memref_slice %arg8[%run_scoped3A_49, %dma_start3A_158, %dma_start3A_159] : memref<3x80x128xf32, #tpu.memory_space<vmem>> -> memref<1x80x128xf32, #tpu.memory_space<vmem>>
      %dma_start3A_161 = tpu.memref_squeeze %dma_start3A_160 : memref<1x80x128xf32, #tpu.memory_space<vmem>> -> memref<80x128xf32, #tpu.memory_space<vmem>>
      tpu.enqueue_dma source(%dma_start3A_161 : memref<80x128xf32, #tpu.memory_space<vmem>>) target(%dma_start3A_157 : memref<80x128xf32, #tpu.memory_space<vmem_shared>>) target_semaphore(%run_scoped3A_149 : memref<!tpu.dma_semaphore, #tpu.memory_space<semaphore_mem>>)
      %dma_wait3A_162 = arith.constant 0 : i32
      %dma_wait3A_163 = arith.constant 0 : i32
      %dma_wait3A_164 = tpu.memref_slice %arg8[%run_scoped3A_49, %dma_wait3A_162, %dma_wait3A_163] : memref<3x80x128xf32, #tpu.memory_space<vmem>> -> memref<1x80x128xf32, #tpu.memory_space<vmem>>
      %dma_wait3A_165 = tpu.memref_squeeze %dma_wait3A_164 : memref<1x80x128xf32, #tpu.memory_space<vmem>> -> memref<80x128xf32, #tpu.memory_space<vmem>>
      %dma_wait3A_166 = arith.constant 0 : i32
      %dma_wait3A_167 = tpu.memref_slice %arg9[%add3A_48, %dma_wait3A_166] : memref<10240x128xf32, #tpu.memory_space<vmem_shared>> -> memref<80x128xf32, #tpu.memory_space<vmem_shared>>
      %dma_wait3A_168 = arith.constant 0 : i32
      %dma_wait3A_169 = tpu.memref_slice %arg9[%add3A_48, %dma_wait3A_168] : memref<10240x128xf32, #tpu.memory_space<vmem_shared>> -> memref<80x128xf32, #tpu.memory_space<vmem_shared>>
      %dma_wait3A_170 = arith.constant 0 : i32
      %dma_wait3A_171 = arith.constant 0 : i32
      %dma_wait3A_172 = tpu.memref_slice %arg8[%run_scoped3A_49, %dma_wait3A_170, %dma_wait3A_171] : memref<3x80x128xf32, #tpu.memory_space<vmem>> -> memref<1x80x128xf32, #tpu.memory_space<vmem>>
      %dma_wait3A_173 = tpu.memref_squeeze %dma_wait3A_172 : memref<1x80x128xf32, #tpu.memory_space<vmem>> -> memref<80x128xf32, #tpu.memory_space<vmem>>
      tpu.wait_dma2 semaphore(%run_scoped3A_149 : memref<!tpu.dma_semaphore, #tpu.memory_space<semaphore_mem>>) src(%dma_wait3A_173 : memref<80x128xf32, #tpu.memory_space<vmem>>) dst(%dma_wait3A_169 : memref<80x128xf32, #tpu.memory_space<vmem_shared>>)
      tpu.yield
    }) : () -> ()
    %mul3A_50 = arith.constant 640 : i32
    %mul3A_51 = arith.muli %arg1, %mul3A_50 : i32
    %add3A_52 = arith.constant 320 : i32
    %add3A_53 = arith.addi %mul3A_51, %add3A_52 : i32
    %run_scoped3A_54 = arith.constant 0 : i32
    "tpu.region"() ({
      %run_scoped3A_149 = tpu.sem_alloc : memref<!tpu.dma_semaphore, #tpu.memory_space<semaphore_mem>>
      %dma_start3A_150 = arith.constant 0 : i32
      %dma_start3A_151 = arith.constant 0 : i32
      %dma_start3A_152 = tpu.memref_slice %arg8[%run_scoped3A_54, %dma_start3A_150, %dma_start3A_151] : memref<3x80x128xf32, #tpu.memory_space<vmem>> -> memref<1x80x128xf32, #tpu.memory_space<vmem>>
      %dma_start3A_153 = tpu.memref_squeeze %dma_start3A_152 : memref<1x80x128xf32, #tpu.memory_space<vmem>> -> memref<80x128xf32, #tpu.memory_space<vmem>>
      %dma_start3A_154 = arith.constant 0 : i32
      %dma_start3A_155 = tpu.memref_slice %arg9[%add3A_53, %dma_start3A_154] : memref<10240x128xf32, #tpu.memory_space<vmem_shared>> -> memref<80x128xf32, #tpu.memory_space<vmem_shared>>
      %dma_start3A_156 = arith.constant 0 : i32
      %dma_start3A_157 = tpu.memref_slice %arg9[%add3A_53, %dma_start3A_156] : memref<10240x128xf32, #tpu.memory_space<vmem_shared>> -> memref<80x128xf32, #tpu.memory_space<vmem_shared>>
      %dma_start3A_158 = arith.constant 0 : i32
      %dma_start3A_159 = arith.constant 0 : i32
      %dma_start3A_160 = tpu.memref_slice %arg8[%run_scoped3A_54, %dma_start3A_158, %dma_start3A_159] : memref<3x80x128xf32, #tpu.memory_space<vmem>> -> memref<1x80x128xf32, #tpu.memory_space<vmem>>
      %dma_start3A_161 = tpu.memref_squeeze %dma_start3A_160 : memref<1x80x128xf32, #tpu.memory_space<vmem>> -> memref<80x128xf32, #tpu.memory_space<vmem>>
      tpu.enqueue_dma source(%dma_start3A_161 : memref<80x128xf32, #tpu.memory_space<vmem>>) target(%dma_start3A_157 : memref<80x128xf32, #tpu.memory_space<vmem_shared>>) target_semaphore(%run_scoped3A_149 : memref<!tpu.dma_semaphore, #tpu.memory_space<semaphore_mem>>)
      %dma_wait3A_162 = arith.constant 0 : i32
      %dma_wait3A_163 = arith.constant 0 : i32
      %dma_wait3A_164 = tpu.memref_slice %arg8[%run_scoped3A_54, %dma_wait3A_162, %dma_wait3A_163] : memref<3x80x128xf32, #tpu.memory_space<vmem>> -> memref<1x80x128xf32, #tpu.memory_space<vmem>>
      %dma_wait3A_165 = tpu.memref_squeeze %dma_wait3A_164 : memref<1x80x128xf32, #tpu.memory_space<vmem>> -> memref<80x128xf32, #tpu.memory_space<vmem>>
      %dma_wait3A_166 = arith.constant 0 : i32
      %dma_wait3A_167 = tpu.memref_slice %arg9[%add3A_53, %dma_wait3A_166] : memref<10240x128xf32, #tpu.memory_space<vmem_shared>> -> memref<80x128xf32, #tpu.memory_space<vmem_shared>>
      %dma_wait3A_168 = arith.constant 0 : i32
      %dma_wait3A_169 = tpu.memref_slice %arg9[%add3A_53, %dma_wait3A_168] : memref<10240x128xf32, #tpu.memory_space<vmem_shared>> -> memref<80x128xf32, #tpu.memory_space<vmem_shared>>
      %dma_wait3A_170 = arith.constant 0 : i32
      %dma_wait3A_171 = arith.constant 0 : i32
      %dma_wait3A_172 = tpu.memref_slice %arg8[%run_scoped3A_54, %dma_wait3A_170, %dma_wait3A_171] : memref<3x80x128xf32, #tpu.memory_space<vmem>> -> memref<1x80x128xf32, #tpu.memory_space<vmem>>
      %dma_wait3A_173 = tpu.memref_squeeze %dma_wait3A_172 : memref<1x80x128xf32, #tpu.memory_space<vmem>> -> memref<80x128xf32, #tpu.memory_space<vmem>>
      tpu.wait_dma2 semaphore(%run_scoped3A_149 : memref<!tpu.dma_semaphore, #tpu.memory_space<semaphore_mem>>) src(%dma_wait3A_173 : memref<80x128xf32, #tpu.memory_space<vmem>>) dst(%dma_wait3A_169 : memref<80x128xf32, #tpu.memory_space<vmem_shared>>)
      tpu.yield
    }) : () -> ()
    %mul3A_55 = arith.constant 640 : i32
    %mul3A_56 = arith.muli %arg1, %mul3A_55 : i32
    %add3A_57 = arith.constant 400 : i32
    %add3A_58 = arith.addi %mul3A_56, %add3A_57 : i32
    %run_scoped3A_59 = arith.constant 0 : i32
    "tpu.region"() ({
      %run_scoped3A_149 = tpu.sem_alloc : memref<!tpu.dma_semaphore, #tpu.memory_space<semaphore_mem>>
      %dma_start3A_150 = arith.constant 0 : i32
      %dma_start3A_151 = arith.constant 0 : i32
      %dma_start3A_152 = tpu.memref_slice %arg8[%run_scoped3A_59, %dma_start3A_150, %dma_start3A_151] : memref<3x80x128xf32, #tpu.memory_space<vmem>> -> memref<1x80x128xf32, #tpu.memory_space<vmem>>
      %dma_start3A_153 = tpu.memref_squeeze %dma_start3A_152 : memref<1x80x128xf32, #tpu.memory_space<vmem>> -> memref<80x128xf32, #tpu.memory_space<vmem>>
      %dma_start3A_154 = arith.constant 0 : i32
      %dma_start3A_155 = tpu.memref_slice %arg9[%add3A_58, %dma_start3A_154] : memref<10240x128xf32, #tpu.memory_space<vmem_shared>> -> memref<80x128xf32, #tpu.memory_space<vmem_shared>>
      %dma_start3A_156 = arith.constant 0 : i32
      %dma_start3A_157 = tpu.memref_slice %arg9[%add3A_58, %dma_start3A_156] : memref<10240x128xf32, #tpu.memory_space<vmem_shared>> -> memref<80x128xf32, #tpu.memory_space<vmem_shared>>
      %dma_start3A_158 = arith.constant 0 : i32
      %dma_start3A_159 = arith.constant 0 : i32
      %dma_start3A_160 = tpu.memref_slice %arg8[%run_scoped3A_59, %dma_start3A_158, %dma_start3A_159] : memref<3x80x128xf32, #tpu.memory_space<vmem>> -> memref<1x80x128xf32, #tpu.memory_space<vmem>>
      %dma_start3A_161 = tpu.memref_squeeze %dma_start3A_160 : memref<1x80x128xf32, #tpu.memory_space<vmem>> -> memref<80x128xf32, #tpu.memory_space<vmem>>
      tpu.enqueue_dma source(%dma_start3A_161 : memref<80x128xf32, #tpu.memory_space<vmem>>) target(%dma_start3A_157 : memref<80x128xf32, #tpu.memory_space<vmem_shared>>) target_semaphore(%run_scoped3A_149 : memref<!tpu.dma_semaphore, #tpu.memory_space<semaphore_mem>>)
      %dma_wait3A_162 = arith.constant 0 : i32
      %dma_wait3A_163 = arith.constant 0 : i32
      %dma_wait3A_164 = tpu.memref_slice %arg8[%run_scoped3A_59, %dma_wait3A_162, %dma_wait3A_163] : memref<3x80x128xf32, #tpu.memory_space<vmem>> -> memref<1x80x128xf32, #tpu.memory_space<vmem>>
      %dma_wait3A_165 = tpu.memref_squeeze %dma_wait3A_164 : memref<1x80x128xf32, #tpu.memory_space<vmem>> -> memref<80x128xf32, #tpu.memory_space<vmem>>
      %dma_wait3A_166 = arith.constant 0 : i32
      %dma_wait3A_167 = tpu.memref_slice %arg9[%add3A_58, %dma_wait3A_166] : memref<10240x128xf32, #tpu.memory_space<vmem_shared>> -> memref<80x128xf32, #tpu.memory_space<vmem_shared>>
      %dma_wait3A_168 = arith.constant 0 : i32
      %dma_wait3A_169 = tpu.memref_slice %arg9[%add3A_58, %dma_wait3A_168] : memref<10240x128xf32, #tpu.memory_space<vmem_shared>> -> memref<80x128xf32, #tpu.memory_space<vmem_shared>>
      %dma_wait3A_170 = arith.constant 0 : i32
      %dma_wait3A_171 = arith.constant 0 : i32
      %dma_wait3A_172 = tpu.memref_slice %arg8[%run_scoped3A_59, %dma_wait3A_170, %dma_wait3A_171] : memref<3x80x128xf32, #tpu.memory_space<vmem>> -> memref<1x80x128xf32, #tpu.memory_space<vmem>>
      %dma_wait3A_173 = tpu.memref_squeeze %dma_wait3A_172 : memref<1x80x128xf32, #tpu.memory_space<vmem>> -> memref<80x128xf32, #tpu.memory_space<vmem>>
      tpu.wait_dma2 semaphore(%run_scoped3A_149 : memref<!tpu.dma_semaphore, #tpu.memory_space<semaphore_mem>>) src(%dma_wait3A_173 : memref<80x128xf32, #tpu.memory_space<vmem>>) dst(%dma_wait3A_169 : memref<80x128xf32, #tpu.memory_space<vmem_shared>>)
      tpu.yield
    }) : () -> ()
    %mul3A_60 = arith.constant 640 : i32
    %mul3A_61 = arith.muli %arg1, %mul3A_60 : i32
    %add3A_62 = arith.constant 480 : i32
    %add3A_63 = arith.addi %mul3A_61, %add3A_62 : i32
    %run_scoped3A_64 = arith.constant 0 : i32
    "tpu.region"() ({
      %run_scoped3A_149 = tpu.sem_alloc : memref<!tpu.dma_semaphore, #tpu.memory_space<semaphore_mem>>
      %dma_start3A_150 = arith.constant 0 : i32
      %dma_start3A_151 = arith.constant 0 : i32
      %dma_start3A_152 = tpu.memref_slice %arg8[%run_scoped3A_64, %dma_start3A_150, %dma_start3A_151] : memref<3x80x128xf32, #tpu.memory_space<vmem>> -> memref<1x80x128xf32, #tpu.memory_space<vmem>>
      %dma_start3A_153 = tpu.memref_squeeze %dma_start3A_152 : memref<1x80x128xf32, #tpu.memory_space<vmem>> -> memref<80x128xf32, #tpu.memory_space<vmem>>
      %dma_start3A_154 = arith.constant 0 : i32
      %dma_start3A_155 = tpu.memref_slice %arg9[%add3A_63, %dma_start3A_154] : memref<10240x128xf32, #tpu.memory_space<vmem_shared>> -> memref<80x128xf32, #tpu.memory_space<vmem_shared>>
      %dma_start3A_156 = arith.constant 0 : i32
      %dma_start3A_157 = tpu.memref_slice %arg9[%add3A_63, %dma_start3A_156] : memref<10240x128xf32, #tpu.memory_space<vmem_shared>> -> memref<80x128xf32, #tpu.memory_space<vmem_shared>>
      %dma_start3A_158 = arith.constant 0 : i32
      %dma_start3A_159 = arith.constant 0 : i32
      %dma_start3A_160 = tpu.memref_slice %arg8[%run_scoped3A_64, %dma_start3A_158, %dma_start3A_159] : memref<3x80x128xf32, #tpu.memory_space<vmem>> -> memref<1x80x128xf32, #tpu.memory_space<vmem>>
      %dma_start3A_161 = tpu.memref_squeeze %dma_start3A_160 : memref<1x80x128xf32, #tpu.memory_space<vmem>> -> memref<80x128xf32, #tpu.memory_space<vmem>>
      tpu.enqueue_dma source(%dma_start3A_161 : memref<80x128xf32, #tpu.memory_space<vmem>>) target(%dma_start3A_157 : memref<80x128xf32, #tpu.memory_space<vmem_shared>>) target_semaphore(%run_scoped3A_149 : memref<!tpu.dma_semaphore, #tpu.memory_space<semaphore_mem>>)
      %dma_wait3A_162 = arith.constant 0 : i32
      %dma_wait3A_163 = arith.constant 0 : i32
      %dma_wait3A_164 = tpu.memref_slice %arg8[%run_scoped3A_64, %dma_wait3A_162, %dma_wait3A_163] : memref<3x80x128xf32, #tpu.memory_space<vmem>> -> memref<1x80x128xf32, #tpu.memory_space<vmem>>
      %dma_wait3A_165 = tpu.memref_squeeze %dma_wait3A_164 : memref<1x80x128xf32, #tpu.memory_space<vmem>> -> memref<80x128xf32, #tpu.memory_space<vmem>>
      %dma_wait3A_166 = arith.constant 0 : i32
      %dma_wait3A_167 = tpu.memref_slice %arg9[%add3A_63, %dma_wait3A_166] : memref<10240x128xf32, #tpu.memory_space<vmem_shared>> -> memref<80x128xf32, #tpu.memory_space<vmem_shared>>
      %dma_wait3A_168 = arith.constant 0 : i32
      %dma_wait3A_169 = tpu.memref_slice %arg9[%add3A_63, %dma_wait3A_168] : memref<10240x128xf32, #tpu.memory_space<vmem_shared>> -> memref<80x128xf32, #tpu.memory_space<vmem_shared>>
      %dma_wait3A_170 = arith.constant 0 : i32
      %dma_wait3A_171 = arith.constant 0 : i32
      %dma_wait3A_172 = tpu.memref_slice %arg8[%run_scoped3A_64, %dma_wait3A_170, %dma_wait3A_171] : memref<3x80x128xf32, #tpu.memory_space<vmem>> -> memref<1x80x128xf32, #tpu.memory_space<vmem>>
      %dma_wait3A_173 = tpu.memref_squeeze %dma_wait3A_172 : memref<1x80x128xf32, #tpu.memory_space<vmem>> -> memref<80x128xf32, #tpu.memory_space<vmem>>
      tpu.wait_dma2 semaphore(%run_scoped3A_149 : memref<!tpu.dma_semaphore, #tpu.memory_space<semaphore_mem>>) src(%dma_wait3A_173 : memref<80x128xf32, #tpu.memory_space<vmem>>) dst(%dma_wait3A_169 : memref<80x128xf32, #tpu.memory_space<vmem_shared>>)
      tpu.yield
    }) : () -> ()
    %mul3A_65 = arith.constant 640 : i32
    %mul3A_66 = arith.muli %arg1, %mul3A_65 : i32
    %add3A_67 = arith.constant 560 : i32
    %add3A_68 = arith.addi %mul3A_66, %add3A_67 : i32
    %run_scoped3A_69 = arith.constant 0 : i32
    "tpu.region"() ({
      %run_scoped3A_149 = tpu.sem_alloc : memref<!tpu.dma_semaphore, #tpu.memory_space<semaphore_mem>>
      %dma_start3A_150 = arith.constant 0 : i32
      %dma_start3A_151 = arith.constant 0 : i32
      %dma_start3A_152 = tpu.memref_slice %arg8[%run_scoped3A_69, %dma_start3A_150, %dma_start3A_151] : memref<3x80x128xf32, #tpu.memory_space<vmem>> -> memref<1x80x128xf32, #tpu.memory_space<vmem>>
      %dma_start3A_153 = tpu.memref_squeeze %dma_start3A_152 : memref<1x80x128xf32, #tpu.memory_space<vmem>> -> memref<80x128xf32, #tpu.memory_space<vmem>>
      %dma_start3A_154 = arith.constant 0 : i32
      %dma_start3A_155 = tpu.memref_slice %arg9[%add3A_68, %dma_start3A_154] : memref<10240x128xf32, #tpu.memory_space<vmem_shared>> -> memref<80x128xf32, #tpu.memory_space<vmem_shared>>
      %dma_start3A_156 = arith.constant 0 : i32
      %dma_start3A_157 = tpu.memref_slice %arg9[%add3A_68, %dma_start3A_156] : memref<10240x128xf32, #tpu.memory_space<vmem_shared>> -> memref<80x128xf32, #tpu.memory_space<vmem_shared>>
      %dma_start3A_158 = arith.constant 0 : i32
      %dma_start3A_159 = arith.constant 0 : i32
      %dma_start3A_160 = tpu.memref_slice %arg8[%run_scoped3A_69, %dma_start3A_158, %dma_start3A_159] : memref<3x80x128xf32, #tpu.memory_space<vmem>> -> memref<1x80x128xf32, #tpu.memory_space<vmem>>
      %dma_start3A_161 = tpu.memref_squeeze %dma_start3A_160 : memref<1x80x128xf32, #tpu.memory_space<vmem>> -> memref<80x128xf32, #tpu.memory_space<vmem>>
      tpu.enqueue_dma source(%dma_start3A_161 : memref<80x128xf32, #tpu.memory_space<vmem>>) target(%dma_start3A_157 : memref<80x128xf32, #tpu.memory_space<vmem_shared>>) target_semaphore(%run_scoped3A_149 : memref<!tpu.dma_semaphore, #tpu.memory_space<semaphore_mem>>)
      %dma_wait3A_162 = arith.constant 0 : i32
      %dma_wait3A_163 = arith.constant 0 : i32
      %dma_wait3A_164 = tpu.memref_slice %arg8[%run_scoped3A_69, %dma_wait3A_162, %dma_wait3A_163] : memref<3x80x128xf32, #tpu.memory_space<vmem>> -> memref<1x80x128xf32, #tpu.memory_space<vmem>>
      %dma_wait3A_165 = tpu.memref_squeeze %dma_wait3A_164 : memref<1x80x128xf32, #tpu.memory_space<vmem>> -> memref<80x128xf32, #tpu.memory_space<vmem>>
      %dma_wait3A_166 = arith.constant 0 : i32
      %dma_wait3A_167 = tpu.memref_slice %arg9[%add3A_68, %dma_wait3A_166] : memref<10240x128xf32, #tpu.memory_space<vmem_shared>> -> memref<80x128xf32, #tpu.memory_space<vmem_shared>>
      %dma_wait3A_168 = arith.constant 0 : i32
      %dma_wait3A_169 = tpu.memref_slice %arg9[%add3A_68, %dma_wait3A_168] : memref<10240x128xf32, #tpu.memory_space<vmem_shared>> -> memref<80x128xf32, #tpu.memory_space<vmem_shared>>
      %dma_wait3A_170 = arith.constant 0 : i32
      %dma_wait3A_171 = arith.constant 0 : i32
      %dma_wait3A_172 = tpu.memref_slice %arg8[%run_scoped3A_69, %dma_wait3A_170, %dma_wait3A_171] : memref<3x80x128xf32, #tpu.memory_space<vmem>> -> memref<1x80x128xf32, #tpu.memory_space<vmem>>
      %dma_wait3A_173 = tpu.memref_squeeze %dma_wait3A_172 : memref<1x80x128xf32, #tpu.memory_space<vmem>> -> memref<80x128xf32, #tpu.memory_space<vmem>>
      tpu.wait_dma2 semaphore(%run_scoped3A_149 : memref<!tpu.dma_semaphore, #tpu.memory_space<semaphore_mem>>) src(%dma_wait3A_173 : memref<80x128xf32, #tpu.memory_space<vmem>>) dst(%dma_wait3A_169 : memref<80x128xf32, #tpu.memory_space<vmem_shared>>)
      tpu.yield
    }) : () -> ()
    %barrier3A = arith.constant 0 : index
    tpu.barrier barrier_id(%barrier3A)
    %add3A_70 = arith.constant 0 : i32
    %add3A_71 = arith.addi %mul3A_2, %add3A_70 : i32
    %dma_start3A = arith.constant 0 : i32
    %dma_start3A_72 = arith.constant 0 : i32
    %dma_start3A_73 = arith.constant 0 : i32
    %dma_start3A_74 = tpu.memref_slice %arg7[%dma_start3A, %dma_start3A_73] : memref<3x80xi32, #tpu.memory_space<vmem>> -> memref<1x80xi32, #tpu.memory_space<vmem>>
    %dma_start3A_75 = tpu.memref_squeeze %dma_start3A_74 : memref<1x80xi32, #tpu.memory_space<vmem>> -> memref<80xi32, #tpu.memory_space<vmem>>
    %dma_start3A_76 = tpu.memref_slice %arg4[%add3A_71] : memref<320000xi32, #tpu.memory_space<hbm>> -> memref<80xi32, #tpu.memory_space<hbm>>
    %dma_start3A_77 = tpu.memref_slice %arg12[%dma_start3A_72] : memref<3x!tpu.dma_semaphore, #tpu.memory_space<semaphore_mem>> -> memref<1x!tpu.dma_semaphore, #tpu.memory_space<semaphore_mem>>
    %dma_start3A_78 = tpu.memref_squeeze %dma_start3A_77 : memref<1x!tpu.dma_semaphore, #tpu.memory_space<semaphore_mem>> -> memref<!tpu.dma_semaphore, #tpu.memory_space<semaphore_mem>>
    %dma_start3A_79 = arith.constant 0 : i32
    %dma_start3A_80 = tpu.memref_slice %arg7[%dma_start3A, %dma_start3A_79] : memref<3x80xi32, #tpu.memory_space<vmem>> -> memref<1x80xi32, #tpu.memory_space<vmem>>
    %dma_start3A_81 = tpu.memref_squeeze %dma_start3A_80 : memref<1x80xi32, #tpu.memory_space<vmem>> -> memref<80xi32, #tpu.memory_space<vmem>>
    %dma_start3A_82 = tpu.memref_slice %arg4[%add3A_71] : memref<320000xi32, #tpu.memory_space<hbm>> -> memref<80xi32, #tpu.memory_space<hbm>>
    tpu.enqueue_dma source(%dma_start3A_82 : memref<80xi32, #tpu.memory_space<hbm>>) target(%dma_start3A_81 : memref<80xi32, #tpu.memory_space<vmem>>) target_semaphore(%dma_start3A_78 : memref<!tpu.dma_semaphore, #tpu.memory_space<semaphore_mem>>)
    %dma_start3A_83 = arith.constant 0 : i32
    %dma_start3A_84 = arith.constant 0 : i32
    %dma_start3A_85 = arith.constant 0 : i32
    %dma_start3A_86 = arith.constant 0 : i32
    %dma_start3A_87 = tpu.memref_slice %arg8[%dma_start3A_83, %dma_start3A_85, %dma_start3A_86] : memref<3x80x128xf32, #tpu.memory_space<vmem>> -> memref<1x80x128xf32, #tpu.memory_space<vmem>>
    %dma_start3A_88 = tpu.memref_squeeze %dma_start3A_87 : memref<1x80x128xf32, #tpu.memory_space<vmem>> -> memref<80x128xf32, #tpu.memory_space<vmem>>
    %dma_start3A_89 = arith.constant 0 : i32
    %dma_start3A_90 = tpu.memref_slice %arg6[%dma_start3A_89] : memref<10000xi32, #tpu.memory_space<vmem>> -> memref<80xi32, #tpu.memory_space<vmem>>
    %dma_start3A_91 = arith.constant 0 : i32
    %dma_start3A_92 = arith.constant 0 : i32
    %dma_start3A_93 = tpu.memref_slice %arg2[%dma_start3A_91, %dma_start3A_92] : memref<10240x128xf32, #tpu.memory_space<hbm>> -> memref<10240x128xf32, #tpu.memory_space<hbm>>
    %dma_start3A_94 = tpu.memref_slice %arg10[%dma_start3A_84] : memref<3x!tpu.dma_semaphore, #tpu.memory_space<semaphore_mem>> -> memref<1x!tpu.dma_semaphore, #tpu.memory_space<semaphore_mem>>
    %dma_start3A_95 = tpu.memref_squeeze %dma_start3A_94 : memref<1x!tpu.dma_semaphore, #tpu.memory_space<semaphore_mem>> -> memref<!tpu.dma_semaphore, #tpu.memory_space<semaphore_mem>>
    tpu.enqueue_indirect_dma source(%dma_start3A_93 : memref<10240x128xf32, #tpu.memory_space<hbm>>) target(%dma_start3A_88 : memref<80x128xf32, #tpu.memory_space<vmem>>) offsets(%dma_start3A_90 : memref<80xi32, #tpu.memory_space<vmem>>) semaphore(%dma_start3A_95 : memref<!tpu.dma_semaphore, #tpu.memory_space<semaphore_mem>>)
    %add3A_96 = arith.constant 80 : i32
    %add3A_97 = arith.addi %mul3A_2, %add3A_96 : i32
    %dma_start3A_98 = arith.constant 1 : i32
    %dma_start3A_99 = arith.constant 1 : i32
    %dma_start3A_100 = arith.constant 0 : i32
    %dma_start3A_101 = tpu.memref_slice %arg7[%dma_start3A_98, %dma_start3A_100] : memref<3x80xi32, #tpu.memory_space<vmem>> -> memref<1x80xi32, #tpu.memory_space<vmem>>
    %dma_start3A_102 = tpu.memref_squeeze %dma_start3A_101 : memref<1x80xi32, #tpu.memory_space<vmem>> -> memref<80xi32, #tpu.memory_space<vmem>>
    %dma_start3A_103 = tpu.memref_slice %arg4[%add3A_97] : memref<320000xi32, #tpu.memory_space<hbm>> -> memref<80xi32, #tpu.memory_space<hbm>>
    %dma_start3A_104 = tpu.memref_slice %arg12[%dma_start3A_99] : memref<3x!tpu.dma_semaphore, #tpu.memory_space<semaphore_mem>> -> memref<1x!tpu.dma_semaphore, #tpu.memory_space<semaphore_mem>>
    %dma_start3A_105 = tpu.memref_squeeze %dma_start3A_104 : memref<1x!tpu.dma_semaphore, #tpu.memory_space<semaphore_mem>> -> memref<!tpu.dma_semaphore, #tpu.memory_space<semaphore_mem>>
    %dma_start3A_106 = arith.constant 0 : i32
    %dma_start3A_107 = tpu.memref_slice %arg7[%dma_start3A_98, %dma_start3A_106] : memref<3x80xi32, #tpu.memory_space<vmem>> -> memref<1x80xi32, #tpu.memory_space<vmem>>
    %dma_start3A_108 = tpu.memref_squeeze %dma_start3A_107 : memref<1x80xi32, #tpu.memory_space<vmem>> -> memref<80xi32, #tpu.memory_space<vmem>>
    %dma_start3A_109 = tpu.memref_slice %arg4[%add3A_97] : memref<320000xi32, #tpu.memory_space<hbm>> -> memref<80xi32, #tpu.memory_space<hbm>>
    tpu.enqueue_dma source(%dma_start3A_109 : memref<80xi32, #tpu.memory_space<hbm>>) target(%dma_start3A_108 : memref<80xi32, #tpu.memory_space<vmem>>) target_semaphore(%dma_start3A_105 : memref<!tpu.dma_semaphore, #tpu.memory_space<semaphore_mem>>)
    %dma_start3A_110 = arith.constant 1 : i32
    %dma_start3A_111 = arith.constant 1 : i32
    %dma_start3A_112 = arith.constant 0 : i32
    %dma_start3A_113 = arith.constant 0 : i32
    %dma_start3A_114 = tpu.memref_slice %arg8[%dma_start3A_110, %dma_start3A_112, %dma_start3A_113] : memref<3x80x128xf32, #tpu.memory_space<vmem>> -> memref<1x80x128xf32, #tpu.memory_space<vmem>>
    %dma_start3A_115 = tpu.memref_squeeze %dma_start3A_114 : memref<1x80x128xf32, #tpu.memory_space<vmem>> -> memref<80x128xf32, #tpu.memory_space<vmem>>
    %dma_start3A_116 = arith.constant 80 : i32
    %dma_start3A_117 = tpu.memref_slice %arg6[%dma_start3A_116] : memref<10000xi32, #tpu.memory_space<vmem>> -> memref<80xi32, #tpu.memory_space<vmem>>
    %dma_start3A_118 = arith.constant 0 : i32
    %dma_start3A_119 = arith.constant 0 : i32
    %dma_start3A_120 = tpu.memref_slice %arg2[%dma_start3A_118, %dma_start3A_119] : memref<10240x128xf32, #tpu.memory_space<hbm>> -> memref<10240x128xf32, #tpu.memory_space<hbm>>
    %dma_start3A_121 = tpu.memref_slice %arg10[%dma_start3A_111] : memref<3x!tpu.dma_semaphore, #tpu.memory_space<semaphore_mem>> -> memref<1x!tpu.dma_semaphore, #tpu.memory_space<semaphore_mem>>
    %dma_start3A_122 = tpu.memref_squeeze %dma_start3A_121 : memref<1x!tpu.dma_semaphore, #tpu.memory_space<semaphore_mem>> -> memref<!tpu.dma_semaphore, #tpu.memory_space<semaphore_mem>>
    tpu.enqueue_indirect_dma source(%dma_start3A_120 : memref<10240x128xf32, #tpu.memory_space<hbm>>) target(%dma_start3A_115 : memref<80x128xf32, #tpu.memory_space<vmem>>) offsets(%dma_start3A_117 : memref<80xi32, #tpu.memory_space<vmem>>) semaphore(%dma_start3A_122 : memref<!tpu.dma_semaphore, #tpu.memory_space<semaphore_mem>>)
    %scan3A_123 = arith.constant 0 : i32
    %scan3A_124 = arith.constant 0 : i32
    %scan3A_125 = arith.constant 125 : i32
    %scan3A_126 = arith.addi %scan3A_124, %scan3A_125 : i32
    %scan3A_127 = arith.constant 1 : i32
    %scan3A_128 = scf.for %scan3A_149 = %scan3A_124 to %scan3A_126 step %scan3A_127 iter_args(%scan3A_150 = %scan3A_123) -> (i32)  : i32 {
      %rem3A = arith.constant 3 : i32
      %rem3A_151 = arith.remsi %scan3A_149, %rem3A : i32
      %add3A_152 = arith.constant 2 : i32
      %add3A_153 = arith.addi %scan3A_149, %add3A_152 : i32
      %rem3A_154 = arith.constant 3 : i32
      %rem3A_155 = arith.remsi %add3A_153, %rem3A_154 : i32
      %mul3A_156 = arith.constant 80 : i32
      %mul3A_157 = arith.muli %scan3A_149, %mul3A_156 : i32
      %dma_wait3A_158 = arith.constant 0 : i32
      %dma_wait3A_159 = arith.constant 0 : i32
      %dma_wait3A_160 = tpu.memref_slice %arg8[%rem3A_151, %dma_wait3A_158, %dma_wait3A_159] : memref<3x80x128xf32, #tpu.memory_space<vmem>> -> memref<1x80x128xf32, #tpu.memory_space<vmem>>
      %dma_wait3A_161 = tpu.memref_squeeze %dma_wait3A_160 : memref<1x80x128xf32, #tpu.memory_space<vmem>> -> memref<80x128xf32, #tpu.memory_space<vmem>>
      %dma_wait3A_162 = tpu.memref_slice %arg6[%mul3A_157] : memref<10000xi32, #tpu.memory_space<vmem>> -> memref<80xi32, #tpu.memory_space<vmem>>
      %dma_wait3A_163 = arith.constant 0 : i32
      %dma_wait3A_164 = arith.constant 0 : i32
      %dma_wait3A_165 = tpu.memref_slice %arg2[%dma_wait3A_163, %dma_wait3A_164] : memref<10240x128xf32, #tpu.memory_space<hbm>> -> memref<10240x128xf32, #tpu.memory_space<hbm>>
      %dma_wait3A_166 = tpu.memref_slice %arg10[%rem3A_151] : memref<3x!tpu.dma_semaphore, #tpu.memory_space<semaphore_mem>> -> memref<1x!tpu.dma_semaphore, #tpu.memory_space<semaphore_mem>>
      %dma_wait3A_167 = tpu.memref_squeeze %dma_wait3A_166 : memref<1x!tpu.dma_semaphore, #tpu.memory_space<semaphore_mem>> -> memref<!tpu.dma_semaphore, #tpu.memory_space<semaphore_mem>>
      tpu.wait_indirect_dma semaphore(%dma_wait3A_167 : memref<!tpu.dma_semaphore, #tpu.memory_space<semaphore_mem>>) src(%dma_wait3A_165 : memref<10240x128xf32, #tpu.memory_space<hbm>>) dst(%dma_wait3A_161 : memref<80x128xf32, #tpu.memory_space<vmem>>)
      %ge3A = arith.constant 1 : i32
      %ge3A_168 = arith.cmpi sge, %scan3A_149, %ge3A : i32
      %convert_element_type3A = arith.extui %ge3A_168 : i1 to i32
      %cond3A = arith.constant 0 : i32
      %cond3A_169 = arith.cmpi ne, %convert_element_type3A, %cond3A : i32
      scf.if %cond3A_169 {
        %dma_wait3A_202 = arith.constant 0 : i32
        %dma_wait3A_203 = arith.constant 0 : i32
        %dma_wait3A_204 = tpu.memref_slice %arg8[%rem3A_155, %dma_wait3A_202, %dma_wait3A_203] : memref<3x80x128xf32, #tpu.memory_space<vmem>> -> memref<1x80x128xf32, #tpu.memory_space<vmem>>
        %dma_wait3A_205 = tpu.memref_squeeze %dma_wait3A_204 : memref<1x80x128xf32, #tpu.memory_space<vmem>> -> memref<80x128xf32, #tpu.memory_space<vmem>>
        %dma_wait3A_206 = arith.constant 0 : i32
        %dma_wait3A_207 = tpu.memref_slice %arg7[%rem3A_155, %dma_wait3A_206] : memref<3x80xi32, #tpu.memory_space<vmem>> -> memref<1x80xi32, #tpu.memory_space<vmem>>
        %dma_wait3A_208 = tpu.memref_squeeze %dma_wait3A_207 : memref<1x80xi32, #tpu.memory_space<vmem>> -> memref<80xi32, #tpu.memory_space<vmem>>
        %dma_wait3A_209 = arith.constant 0 : i32
        %dma_wait3A_210 = arith.constant 0 : i32
        %dma_wait3A_211 = tpu.memref_slice %arg9[%dma_wait3A_209, %dma_wait3A_210] : memref<10240x128xf32, #tpu.memory_space<vmem_shared>> -> memref<10240x128xf32, #tpu.memory_space<vmem_shared>>
        %dma_wait3A_212 = tpu.memref_slice %arg11[%rem3A_155] : memref<3x!tpu.dma_semaphore, #tpu.memory_space<semaphore_mem>> -> memref<1x!tpu.dma_semaphore, #tpu.memory_space<semaphore_mem>>
        %dma_wait3A_213 = tpu.memref_squeeze %dma_wait3A_212 : memref<1x!tpu.dma_semaphore, #tpu.memory_space<semaphore_mem>> -> memref<!tpu.dma_semaphore, #tpu.memory_space<semaphore_mem>>
        tpu.wait_indirect_dma semaphore(%dma_wait3A_213 : memref<!tpu.dma_semaphore, #tpu.memory_space<semaphore_mem>>) src(%dma_wait3A_205 : memref<80x128xf32, #tpu.memory_space<vmem>>) dst(%dma_wait3A_211 : memref<10240x128xf32, #tpu.memory_space<vmem_shared>>)
      } else {
      }
      %add3A_170 = arith.constant 2 : i32
      %add3A_171 = arith.addi %scan3A_149, %add3A_170 : i32
      %lt3A = arith.constant 125 : i32
      %lt3A_172 = arith.cmpi slt, %add3A_171, %lt3A : i32
      %convert_element_type3A_173 = arith.extui %lt3A_172 : i1 to i32
      %cond3A_174 = arith.constant 0 : i32
      %cond3A_175 = arith.cmpi ne, %convert_element_type3A_173, %cond3A_174 : i32
      scf.if %cond3A_175 {
        %add3A_202 = arith.constant 2 : i32
        %add3A_203 = arith.addi %scan3A_149, %add3A_202 : i32
        %mul3A_204 = arith.constant 80 : i32
        %mul3A_205 = arith.muli %add3A_203, %mul3A_204 : i32
        %add3A_206 = arith.addi %mul3A_2, %mul3A_205 : i32
        %dma_start3A_207 = arith.constant 0 : i32
        %dma_start3A_208 = tpu.memref_slice %arg7[%rem3A_155, %dma_start3A_207] : memref<3x80xi32, #tpu.memory_space<vmem>> -> memref<1x80xi32, #tpu.memory_space<vmem>>
        %dma_start3A_209 = tpu.memref_squeeze %dma_start3A_208 : memref<1x80xi32, #tpu.memory_space<vmem>> -> memref<80xi32, #tpu.memory_space<vmem>>
        %dma_start3A_210 = tpu.memref_slice %arg4[%add3A_206] : memref<320000xi32, #tpu.memory_space<hbm>> -> memref<80xi32, #tpu.memory_space<hbm>>
        %dma_start3A_211 = tpu.memref_slice %arg12[%rem3A_155] : memref<3x!tpu.dma_semaphore, #tpu.memory_space<semaphore_mem>> -> memref<1x!tpu.dma_semaphore, #tpu.memory_space<semaphore_mem>>
        %dma_start3A_212 = tpu.memref_squeeze %dma_start3A_211 : memref<1x!tpu.dma_semaphore, #tpu.memory_space<semaphore_mem>> -> memref<!tpu.dma_semaphore, #tpu.memory_space<semaphore_mem>>
        %dma_start3A_213 = arith.constant 0 : i32
        %dma_start3A_214 = tpu.memref_slice %arg7[%rem3A_155, %dma_start3A_213] : memref<3x80xi32, #tpu.memory_space<vmem>> -> memref<1x80xi32, #tpu.memory_space<vmem>>
        %dma_start3A_215 = tpu.memref_squeeze %dma_start3A_214 : memref<1x80xi32, #tpu.memory_space<vmem>> -> memref<80xi32, #tpu.memory_space<vmem>>
        %dma_start3A_216 = tpu.memref_slice %arg4[%add3A_206] : memref<320000xi32, #tpu.memory_space<hbm>> -> memref<80xi32, #tpu.memory_space<hbm>>
        tpu.enqueue_dma source(%dma_start3A_216 : memref<80xi32, #tpu.memory_space<hbm>>) target(%dma_start3A_215 : memref<80xi32, #tpu.memory_space<vmem>>) target_semaphore(%dma_start3A_212 : memref<!tpu.dma_semaphore, #tpu.memory_space<semaphore_mem>>)
        %add3A_217 = arith.constant 2 : i32
        %add3A_218 = arith.addi %scan3A_149, %add3A_217 : i32
        %mul3A_219 = arith.constant 80 : i32
        %mul3A_220 = arith.muli %add3A_218, %mul3A_219 : i32
        %dma_start3A_221 = arith.constant 0 : i32
        %dma_start3A_222 = arith.constant 0 : i32
        %dma_start3A_223 = tpu.memref_slice %arg8[%rem3A_155, %dma_start3A_221, %dma_start3A_222] : memref<3x80x128xf32, #tpu.memory_space<vmem>> -> memref<1x80x128xf32, #tpu.memory_space<vmem>>
        %dma_start3A_224 = tpu.memref_squeeze %dma_start3A_223 : memref<1x80x128xf32, #tpu.memory_space<vmem>> -> memref<80x128xf32, #tpu.memory_space<vmem>>
        %dma_start3A_225 = tpu.memref_slice %arg6[%mul3A_220] : memref<10000xi32, #tpu.memory_space<vmem>> -> memref<80xi32, #tpu.memory_space<vmem>>
        %dma_start3A_226 = arith.constant 0 : i32
        %dma_start3A_227 = arith.constant 0 : i32
        %dma_start3A_228 = tpu.memref_slice %arg2[%dma_start3A_226, %dma_start3A_227] : memref<10240x128xf32, #tpu.memory_space<hbm>> -> memref<10240x128xf32, #tpu.memory_space<hbm>>
        %dma_start3A_229 = tpu.memref_slice %arg10[%rem3A_155] : memref<3x!tpu.dma_semaphore, #tpu.memory_space<semaphore_mem>> -> memref<1x!tpu.dma_semaphore, #tpu.memory_space<semaphore_mem>>
        %dma_start3A_230 = tpu.memref_squeeze %dma_start3A_229 : memref<1x!tpu.dma_semaphore, #tpu.memory_space<semaphore_mem>> -> memref<!tpu.dma_semaphore, #tpu.memory_space<semaphore_mem>>
        tpu.enqueue_indirect_dma source(%dma_start3A_228 : memref<10240x128xf32, #tpu.memory_space<hbm>>) target(%dma_start3A_224 : memref<80x128xf32, #tpu.memory_space<vmem>>) offsets(%dma_start3A_225 : memref<80xi32, #tpu.memory_space<vmem>>) semaphore(%dma_start3A_230 : memref<!tpu.dma_semaphore, #tpu.memory_space<semaphore_mem>>)
      } else {
      }
      %mul3A_176 = arith.constant 80 : i32
      %mul3A_177 = arith.muli %scan3A_149, %mul3A_176 : i32
      %add3A_178 = arith.addi %mul3A_2, %mul3A_177 : i32
      %dma_wait3A_179 = arith.constant 0 : i32
      %dma_wait3A_180 = tpu.memref_slice %arg7[%rem3A_151, %dma_wait3A_179] : memref<3x80xi32, #tpu.memory_space<vmem>> -> memref<1x80xi32, #tpu.memory_space<vmem>>
      %dma_wait3A_181 = tpu.memref_squeeze %dma_wait3A_180 : memref<1x80xi32, #tpu.memory_space<vmem>> -> memref<80xi32, #tpu.memory_space<vmem>>
      %dma_wait3A_182 = tpu.memref_slice %arg4[%add3A_178] : memref<320000xi32, #tpu.memory_space<hbm>> -> memref<80xi32, #tpu.memory_space<hbm>>
      %dma_wait3A_183 = tpu.memref_slice %arg12[%rem3A_151] : memref<3x!tpu.dma_semaphore, #tpu.memory_space<semaphore_mem>> -> memref<1x!tpu.dma_semaphore, #tpu.memory_space<semaphore_mem>>
      %dma_wait3A_184 = tpu.memref_squeeze %dma_wait3A_183 : memref<1x!tpu.dma_semaphore, #tpu.memory_space<semaphore_mem>> -> memref<!tpu.dma_semaphore, #tpu.memory_space<semaphore_mem>>
      %dma_wait3A_185 = arith.constant 0 : i32
      %dma_wait3A_186 = tpu.memref_slice %arg7[%rem3A_151, %dma_wait3A_185] : memref<3x80xi32, #tpu.memory_space<vmem>> -> memref<1x80xi32, #tpu.memory_space<vmem>>
      %dma_wait3A_187 = tpu.memref_squeeze %dma_wait3A_186 : memref<1x80xi32, #tpu.memory_space<vmem>> -> memref<80xi32, #tpu.memory_space<vmem>>
      %dma_wait3A_188 = tpu.memref_slice %arg4[%add3A_178] : memref<320000xi32, #tpu.memory_space<hbm>> -> memref<80xi32, #tpu.memory_space<hbm>>
      tpu.wait_dma2 semaphore(%dma_wait3A_184 : memref<!tpu.dma_semaphore, #tpu.memory_space<semaphore_mem>>) src(%dma_wait3A_188 : memref<80xi32, #tpu.memory_space<hbm>>) dst(%dma_wait3A_187 : memref<80xi32, #tpu.memory_space<vmem>>)
      %dma_start3A_189 = arith.constant 0 : i32
      %dma_start3A_190 = arith.constant 0 : i32
      %dma_start3A_191 = tpu.memref_slice %arg8[%rem3A_151, %dma_start3A_189, %dma_start3A_190] : memref<3x80x128xf32, #tpu.memory_space<vmem>> -> memref<1x80x128xf32, #tpu.memory_space<vmem>>
      %dma_start3A_192 = tpu.memref_squeeze %dma_start3A_191 : memref<1x80x128xf32, #tpu.memory_space<vmem>> -> memref<80x128xf32, #tpu.memory_space<vmem>>
      %dma_start3A_193 = arith.constant 0 : i32
      %dma_start3A_194 = tpu.memref_slice %arg7[%rem3A_151, %dma_start3A_193] : memref<3x80xi32, #tpu.memory_space<vmem>> -> memref<1x80xi32, #tpu.memory_space<vmem>>
      %dma_start3A_195 = tpu.memref_squeeze %dma_start3A_194 : memref<1x80xi32, #tpu.memory_space<vmem>> -> memref<80xi32, #tpu.memory_space<vmem>>
      %dma_start3A_196 = arith.constant 0 : i32
      %dma_start3A_197 = arith.constant 0 : i32
      %dma_start3A_198 = tpu.memref_slice %arg9[%dma_start3A_196, %dma_start3A_197] : memref<10240x128xf32, #tpu.memory_space<vmem_shared>> -> memref<10240x128xf32, #tpu.memory_space<vmem_shared>>
      %dma_start3A_199 = tpu.memref_slice %arg11[%rem3A_151] : memref<3x!tpu.dma_semaphore, #tpu.memory_space<semaphore_mem>> -> memref<1x!tpu.dma_semaphore, #tpu.memory_space<semaphore_mem>>
      %dma_start3A_200 = tpu.memref_squeeze %dma_start3A_199 : memref<1x!tpu.dma_semaphore, #tpu.memory_space<semaphore_mem>> -> memref<!tpu.dma_semaphore, #tpu.memory_space<semaphore_mem>>
      tpu.enqueue_indirect_dma source(%dma_start3A_192 : memref<80x128xf32, #tpu.memory_space<vmem>>) target(%dma_start3A_198 : memref<10240x128xf32, #tpu.memory_space<vmem_shared>>) offsets(%dma_start3A_195 : memref<80xi32, #tpu.memory_space<vmem>>) semaphore(%dma_start3A_200 : memref<!tpu.dma_semaphore, #tpu.memory_space<semaphore_mem>>) {add = true}
      %scan3A_201 = arith.constant 0 : i32
      scf.yield %scan3A_201 : i32
    }
    %scan3A_129 = arith.constant 125 : i32
    %dma_wait3A = arith.constant 1 : i32
    %dma_wait3A_130 = arith.constant 1 : i32
    %dma_wait3A_131 = arith.constant 1 : i32
    %dma_wait3A_132 = arith.constant 0 : i32
    %dma_wait3A_133 = arith.constant 0 : i32
    %dma_wait3A_134 = tpu.memref_slice %arg8[%dma_wait3A, %dma_wait3A_132, %dma_wait3A_133] : memref<3x80x128xf32, #tpu.memory_space<vmem>> -> memref<1x80x128xf32, #tpu.memory_space<vmem>>
    %dma_wait3A_135 = tpu.memref_squeeze %dma_wait3A_134 : memref<1x80x128xf32, #tpu.memory_space<vmem>> -> memref<80x128xf32, #tpu.memory_space<vmem>>
    %dma_wait3A_136 = arith.constant 0 : i32
    %dma_wait3A_137 = tpu.memref_slice %arg7[%dma_wait3A_130, %dma_wait3A_136] : memref<3x80xi32, #tpu.memory_space<vmem>> -> memref<1x80xi32, #tpu.memory_space<vmem>>
    %dma_wait3A_138 = tpu.memref_squeeze %dma_wait3A_137 : memref<1x80xi32, #tpu.memory_space<vmem>> -> memref<80xi32, #tpu.memory_space<vmem>>
    %dma_wait3A_139 = arith.constant 0 : i32
    %dma_wait3A_140 = arith.constant 0 : i32
    %dma_wait3A_141 = tpu.memref_slice %arg9[%dma_wait3A_139, %dma_wait3A_140] : memref<10240x128xf32, #tpu.memory_space<vmem_shared>> -> memref<10240x128xf32, #tpu.memory_space<vmem_shared>>
    %dma_wait3A_142 = tpu.memref_slice %arg11[%dma_wait3A_131] : memref<3x!tpu.dma_semaphore, #tpu.memory_space<semaphore_mem>> -> memref<1x!tpu.dma_semaphore, #tpu.memory_space<semaphore_mem>>
    %dma_wait3A_143 = tpu.memref_squeeze %dma_wait3A_142 : memref<1x!tpu.dma_semaphore, #tpu.memory_space<semaphore_mem>> -> memref<!tpu.dma_semaphore, #tpu.memory_space<semaphore_mem>>
    tpu.wait_indirect_dma semaphore(%dma_wait3A_143 : memref<!tpu.dma_semaphore, #tpu.memory_space<semaphore_mem>>) src(%dma_wait3A_135 : memref<80x128xf32, #tpu.memory_space<vmem>>) dst(%dma_wait3A_141 : memref<10240x128xf32, #tpu.memory_space<vmem_shared>>)
    %barrier3A_144 = arith.constant 0 : index
    tpu.barrier barrier_id(%barrier3A_144)
    %mul3A_145 = arith.constant 640 : i32
    %mul3A_146 = arith.muli %arg1, %mul3A_145 : i32
    %mul3A_147 = arith.constant 640 : i32
    %mul3A_148 = arith.muli %arg1, %mul3A_147 : i32
    "tpu.region"() ({
      %run_scoped3A_149 = tpu.sem_alloc : memref<!tpu.dma_semaphore, #tpu.memory_space<semaphore_mem>>
      %dma_start3A_150 = arith.constant 0 : i32
      %dma_start3A_151 = tpu.memref_slice %arg5[%arg0, %mul3A_148, %dma_start3A_150] : memref<2x10240x128xf32, #tpu.memory_space<hbm>> -> memref<1x640x128xf32, #tpu.memory_space<hbm>>
      %dma_start3A_152 = tpu.memref_squeeze %dma_start3A_151 : memref<1x640x128xf32, #tpu.memory_space<hbm>> -> memref<640x128xf32, #tpu.memory_space<hbm>>
      %dma_start3A_153 = arith.constant 0 : i32
      %dma_start3A_154 = tpu.memref_slice %arg9[%mul3A_146, %dma_start3A_153] : memref<10240x128xf32, #tpu.memory_space<vmem_shared>> -> memref<640x128xf32, #tpu.memory_space<vmem_shared>>
      tpu.enqueue_dma source(%dma_start3A_154 : memref<640x128xf32, #tpu.memory_space<vmem_shared>>) target(%dma_start3A_152 : memref<640x128xf32, #tpu.memory_space<hbm>>) target_semaphore(%run_scoped3A_149 : memref<!tpu.dma_semaphore, #tpu.memory_space<semaphore_mem>>)
      %dma_wait3A_155 = arith.constant 0 : i32
      %dma_wait3A_156 = tpu.memref_slice %arg5[%arg0, %mul3A_148, %dma_wait3A_155] : memref<2x10240x128xf32, #tpu.memory_space<hbm>> -> memref<1x640x128xf32, #tpu.memory_space<hbm>>
      %dma_wait3A_157 = tpu.memref_squeeze %dma_wait3A_156 : memref<1x640x128xf32, #tpu.memory_space<hbm>> -> memref<640x128xf32, #tpu.memory_space<hbm>>
      %dma_wait3A_158 = arith.constant 0 : i32
      %dma_wait3A_159 = tpu.memref_slice %arg9[%mul3A_146, %dma_wait3A_158] : memref<10240x128xf32, #tpu.memory_space<vmem_shared>> -> memref<640x128xf32, #tpu.memory_space<vmem_shared>>
      tpu.wait_dma2 semaphore(%run_scoped3A_149 : memref<!tpu.dma_semaphore, #tpu.memory_space<semaphore_mem>>) src(%dma_wait3A_159 : memref<640x128xf32, #tpu.memory_space<vmem_shared>>) dst(%dma_wait3A_157 : memref<640x128xf32, #tpu.memory_space<hbm>>)
      tpu.yield
    }) : () -> ()
    return
  }
}

#map = affine_map<(d0, d1) -> (0)>
#map1 = affine_map<(d0, d1) -> (0, 0, 0)>
module attributes {stable_mosaic.version = 14 : i64} {
  func.func @_deg_kernel(%arg0: i32, %arg1: i32, %arg2: memref<320000xi32, #tpu.memory_space<hbm>>, %arg3: memref<2x80x128xf32, #tpu.memory_space<hbm>>, %arg4: memref<10000xi32, #tpu.memory_space<vmem>>, %arg5: memref<80x128xf32, #tpu.memory_space<vmem>>, %arg6: memref<1x80xi32, #tpu.memory_space<vmem>>, %arg7: memref<80x128xf32, #tpu.memory_space<vmem_shared>>) attributes {dimension_semantics = [#tpu.dimension_semantics<core_parallel>, #tpu.dimension_semantics<subcore_parallel>], iteration_bounds = array<i64: 2, 16>, scalar_prefetch = 0 : i64, scratch_operands = 4 : i64, tpu.core_type = #tpu.core_type<sc_vector_subcore>, window_params = [{transform_indices = #map}, {transform_indices = #map1}]} {
    %mul3A = arith.constant 16 : i32
    %mul3A_0 = arith.muli %arg0, %mul3A : i32
    %add3A = arith.addi %mul3A_0, %arg1 : i32
    %mul3A_1 = arith.constant 10000 : i32
    %mul3A_2 = arith.muli %add3A, %mul3A_1 : i32
    "tpu.region"() ({
      %run_scoped3A_61 = tpu.sem_alloc : memref<!tpu.dma_semaphore, #tpu.memory_space<semaphore_mem>>
      %dma_start3A = tpu.memref_slice %arg2[%mul3A_2] : memref<320000xi32, #tpu.memory_space<hbm>> -> memref<10000xi32, #tpu.memory_space<hbm>>
      %dma_start3A_62 = tpu.memref_slice %arg2[%mul3A_2] : memref<320000xi32, #tpu.memory_space<hbm>> -> memref<10000xi32, #tpu.memory_space<hbm>>
      tpu.enqueue_dma source(%dma_start3A_62 : memref<10000xi32, #tpu.memory_space<hbm>>) target(%arg4 : memref<10000xi32, #tpu.memory_space<vmem>>) target_semaphore(%run_scoped3A_61 : memref<!tpu.dma_semaphore, #tpu.memory_space<semaphore_mem>>)
      %dma_wait3A = tpu.memref_slice %arg2[%mul3A_2] : memref<320000xi32, #tpu.memory_space<hbm>> -> memref<10000xi32, #tpu.memory_space<hbm>>
      %dma_wait3A_63 = tpu.memref_slice %arg2[%mul3A_2] : memref<320000xi32, #tpu.memory_space<hbm>> -> memref<10000xi32, #tpu.memory_space<hbm>>
      tpu.wait_dma2 semaphore(%run_scoped3A_61 : memref<!tpu.dma_semaphore, #tpu.memory_space<semaphore_mem>>) src(%dma_wait3A_63 : memref<10000xi32, #tpu.memory_space<hbm>>) dst(%arg4 : memref<10000xi32, #tpu.memory_space<vmem>>)
      tpu.yield
    }) : () -> ()
    %broadcast_in_dim3A = arith.constant 0.000000e+00 : f32
    %broadcast_in_dim3A_3 = vector.broadcast %broadcast_in_dim3A : f32 to vector<16xf32>
    %scan3A = arith.constant 0 : i32
    %scan3A_4 = arith.constant 0 : i32
    %scan3A_5 = arith.constant 640 : i32
    %scan3A_6 = arith.addi %scan3A_4, %scan3A_5 : i32
    %scan3A_7 = arith.constant 1 : i32
    %scan3A_8 = scf.for %scan3A_61 = %scan3A_4 to %scan3A_6 step %scan3A_7 iter_args(%scan3A_62 = %scan3A) -> (i32)  : i32 {
      %jit3A = arith.constant 8 : i32
      %div3A = arith.divsi %scan3A_61, %jit3A : i32
      %sign3A = arith.constant 0 : i32
      %sign3A_63 = arith.cmpi sgt, %scan3A_61, %sign3A : i32
      %sign3A_64 = arith.extui %sign3A_63 : i1 to i32
      %sign3A_65 = arith.constant 0 : i32
      %sign3A_66 = arith.cmpi slt, %scan3A_61, %sign3A_65 : i32
      %sign3A_67 = arith.extui %sign3A_66 : i1 to i32
      %sign3A_68 = arith.subi %sign3A_64, %sign3A_67 : i32
      %sign3A_69 = arith.constant 0 : i32
      %sign3A_70 = arith.cmpi sgt, %jit3A, %sign3A_69 : i32
      %sign3A_71 = arith.extui %sign3A_70 : i1 to i32
      %sign3A_72 = arith.constant 0 : i32
      %sign3A_73 = arith.cmpi slt, %jit3A, %sign3A_72 : i32
      %sign3A_74 = arith.extui %sign3A_73 : i1 to i32
      %sign3A_75 = arith.subi %sign3A_71, %sign3A_74 : i32
      %ne3A = arith.cmpi ne, %sign3A_68, %sign3A_75 : i32
      %rem3A = arith.remsi %scan3A_61, %jit3A : i32
      %ne3A_76 = arith.constant 0 : i32
      %ne3A_77 = arith.cmpi ne, %rem3A, %ne3A_76 : i32
      %and3A = arith.andi %ne3A, %ne3A_77 : i1
      %sub3A = arith.constant 1 : i32
      %sub3A_78 = arith.subi %div3A, %sub3A : i32
      %select_n3A = arith.select %and3A, %sub3A_78, %div3A : i32
      %jit3A_79 = arith.constant 8 : i32
      %eq3A = arith.constant 0 : i32
      %eq3A_80 = arith.cmpi eq, %jit3A_79, %eq3A : i32
      %jit3A_81 = arith.constant 1 : i32
      %select_n3A_82 = arith.select %eq3A_80, %jit3A_81, %jit3A_79 : i32
      %rem3A_83 = arith.remsi %scan3A_61, %select_n3A_82 : i32
      %ne3A_84 = arith.constant 0 : i32
      %ne3A_85 = arith.cmpi ne, %rem3A_83, %ne3A_84 : i32
      %lt3A_86 = arith.constant 0 : i32
      %lt3A_87 = arith.cmpi slt, %rem3A_83, %lt3A_86 : i32
      %lt3A_88 = arith.constant 0 : i32
      %lt3A_89 = arith.cmpi slt, %select_n3A_82, %lt3A_88 : i32
      %ne3A_90 = arith.xori %lt3A_87, %lt3A_89 : i1
      %and3A_91 = arith.andi %ne3A_90, %ne3A_85 : i1
      %add3A_92 = arith.addi %rem3A_83, %select_n3A_82 : i32
      %select_n3A_93 = arith.select %and3A_91, %add3A_92, %rem3A_83 : i32
      %mul3A_94 = arith.constant 16 : i32
      %mul3A_95 = arith.muli %select_n3A_93, %mul3A_94 : i32
      %swap3A_96 = arith.index_cast %select_n3A : i32 to index
      %swap3A_97 = arith.index_cast %mul3A_95 : i32 to index
      %swap3A_98 = tpu.vector_load %arg5[%swap3A_96, %swap3A_97] {strides = array<i32>} : memref<80x128xf32, #tpu.memory_space<vmem>>, vector<16xf32>,
      tpu.vector_store %arg5[%swap3A_96, %swap3A_97], %broadcast_in_dim3A_3 {strides = array<i32>} : memref<80x128xf32, #tpu.memory_space<vmem>>, vector<16xf32>,
      %scan3A_99 = arith.constant 0 : i32
      scf.yield %scan3A_99 : i32
    }
    %scan3A_9 = arith.constant 640 : i32
    %iota3A = tpu.iota {dimensions = array<i32: 0>} : vector<16xi32>
    %add3A_10 = arith.constant 0 : i32
    %add3A_11 = vector.broadcast %add3A_10 : i32 to vector<16xi32>
    %add3A_12 = arith.addi %iota3A, %add3A_11 : vector<16xi32>
    %swap3A = arith.constant 0 : i32
    %swap3A_13 = arith.index_cast %swap3A : i32 to index
    %swap3A_14 = arith.constant 0 : index
    %swap3A_15 = tpu.vector_load %arg6[%swap3A_13, %swap3A_14] {strides = array<i32>} : memref<1x80xi32, #tpu.memory_space<vmem>>, vector<16xi32>,
    tpu.vector_store %arg6[%swap3A_13, %swap3A_14], %add3A_12 {strides = array<i32>} : memref<1x80xi32, #tpu.memory_space<vmem>>, vector<16xi32>,
    %add3A_16 = arith.constant 16 : i32
    %add3A_17 = vector.broadcast %add3A_16 : i32 to vector<16xi32>
    %add3A_18 = arith.addi %iota3A, %add3A_17 : vector<16xi32>
    %swap3A_19 = arith.constant 0 : i32
    %swap3A_20 = arith.index_cast %swap3A_19 : i32 to index
    %swap3A_21 = arith.constant 16 : index
    %swap3A_22 = tpu.vector_load %arg6[%swap3A_20, %swap3A_21] {strides = array<i32>} : memref<1x80xi32, #tpu.memory_space<vmem>>, vector<16xi32>,
    tpu.vector_store %arg6[%swap3A_20, %swap3A_21], %add3A_18 {strides = array<i32>} : memref<1x80xi32, #tpu.memory_space<vmem>>, vector<16xi32>,
    %add3A_23 = arith.constant 32 : i32
    %add3A_24 = vector.broadcast %add3A_23 : i32 to vector<16xi32>
    %add3A_25 = arith.addi %iota3A, %add3A_24 : vector<16xi32>
    %swap3A_26 = arith.constant 0 : i32
    %swap3A_27 = arith.index_cast %swap3A_26 : i32 to index
    %swap3A_28 = arith.constant 32 : index
    %swap3A_29 = tpu.vector_load %arg6[%swap3A_27, %swap3A_28] {strides = array<i32>} : memref<1x80xi32, #tpu.memory_space<vmem>>, vector<16xi32>,
    tpu.vector_store %arg6[%swap3A_27, %swap3A_28], %add3A_25 {strides = array<i32>} : memref<1x80xi32, #tpu.memory_space<vmem>>, vector<16xi32>,
    %add3A_30 = arith.constant 48 : i32
    %add3A_31 = vector.broadcast %add3A_30 : i32 to vector<16xi32>
    %add3A_32 = arith.addi %iota3A, %add3A_31 : vector<16xi32>
    %swap3A_33 = arith.constant 0 : i32
    %swap3A_34 = arith.index_cast %swap3A_33 : i32 to index
    %swap3A_35 = arith.constant 48 : index
    %swap3A_36 = tpu.vector_load %arg6[%swap3A_34, %swap3A_35] {strides = array<i32>} : memref<1x80xi32, #tpu.memory_space<vmem>>, vector<16xi32>,
    tpu.vector_store %arg6[%swap3A_34, %swap3A_35], %add3A_32 {strides = array<i32>} : memref<1x80xi32, #tpu.memory_space<vmem>>, vector<16xi32>,
    %add3A_37 = arith.constant 64 : i32
    %add3A_38 = vector.broadcast %add3A_37 : i32 to vector<16xi32>
    %add3A_39 = arith.addi %iota3A, %add3A_38 : vector<16xi32>
    %swap3A_40 = arith.constant 0 : i32
    %swap3A_41 = arith.index_cast %swap3A_40 : i32 to index
    %swap3A_42 = arith.constant 64 : index
    %swap3A_43 = tpu.vector_load %arg6[%swap3A_41, %swap3A_42] {strides = array<i32>} : memref<1x80xi32, #tpu.memory_space<vmem>>, vector<16xi32>,
    tpu.vector_store %arg6[%swap3A_41, %swap3A_42], %add3A_39 {strides = array<i32>} : memref<1x80xi32, #tpu.memory_space<vmem>>, vector<16xi32>,
    %lt3A = arith.constant 5 : i32
    %lt3A_44 = arith.cmpi slt, %arg1, %lt3A : i32
    %convert_element_type3A = arith.extui %lt3A_44 : i1 to i32
    %cond3A = arith.constant 0 : i32
    %cond3A_45 = arith.cmpi ne, %convert_element_type3A, %cond3A : i32
    scf.if %cond3A_45 {
      %mul3A_61 = arith.constant 16 : i32
      %mul3A_62 = arith.muli %arg1, %mul3A_61 : i32
      %mul3A_63 = arith.constant 16 : i32
      %mul3A_64 = arith.muli %arg1, %mul3A_63 : i32
      "tpu.region"() ({
        %run_scoped3A_65 = tpu.sem_alloc : memref<!tpu.dma_semaphore, #tpu.memory_space<semaphore_mem>>
        %dma_start3A = arith.constant 0 : i32
        %dma_start3A_66 = tpu.memref_slice %arg5[%mul3A_62, %dma_start3A] : memref<80x128xf32, #tpu.memory_space<vmem>> -> memref<16x128xf32, #tpu.memory_space<vmem>>
        %dma_start3A_67 = arith.constant 0 : i32
        %dma_start3A_68 = tpu.memref_slice %arg7[%mul3A_64, %dma_start3A_67] : memref<80x128xf32, #tpu.memory_space<vmem_shared>> -> memref<16x128xf32, #tpu.memory_space<vmem_shared>>
        %dma_start3A_69 = arith.constant 0 : i32
        %dma_start3A_70 = tpu.memref_slice %arg7[%mul3A_64, %dma_start3A_69] : memref<80x128xf32, #tpu.memory_space<vmem_shared>> -> memref<16x128xf32, #tpu.memory_space<vmem_shared>>
        %dma_start3A_71 = arith.constant 0 : i32
        %dma_start3A_72 = tpu.memref_slice %arg5[%mul3A_62, %dma_start3A_71] : memref<80x128xf32, #tpu.memory_space<vmem>> -> memref<16x128xf32, #tpu.memory_space<vmem>>
        tpu.enqueue_dma source(%dma_start3A_72 : memref<16x128xf32, #tpu.memory_space<vmem>>) target(%dma_start3A_70 : memref<16x128xf32, #tpu.memory_space<vmem_shared>>) target_semaphore(%run_scoped3A_65 : memref<!tpu.dma_semaphore, #tpu.memory_space<semaphore_mem>>)
        %dma_wait3A = arith.constant 0 : i32
        %dma_wait3A_73 = tpu.memref_slice %arg5[%mul3A_62, %dma_wait3A] : memref<80x128xf32, #tpu.memory_space<vmem>> -> memref<16x128xf32, #tpu.memory_space<vmem>>
        %dma_wait3A_74 = arith.constant 0 : i32
        %dma_wait3A_75 = tpu.memref_slice %arg7[%mul3A_64, %dma_wait3A_74] : memref<80x128xf32, #tpu.memory_space<vmem_shared>> -> memref<16x128xf32, #tpu.memory_space<vmem_shared>>
        %dma_wait3A_76 = arith.constant 0 : i32
        %dma_wait3A_77 = tpu.memref_slice %arg7[%mul3A_64, %dma_wait3A_76] : memref<80x128xf32, #tpu.memory_space<vmem_shared>> -> memref<16x128xf32, #tpu.memory_space<vmem_shared>>
        %dma_wait3A_78 = arith.constant 0 : i32
        %dma_wait3A_79 = tpu.memref_slice %arg5[%mul3A_62, %dma_wait3A_78] : memref<80x128xf32, #tpu.memory_space<vmem>> -> memref<16x128xf32, #tpu.memory_space<vmem>>
        tpu.wait_dma2 semaphore(%run_scoped3A_65 : memref<!tpu.dma_semaphore, #tpu.memory_space<semaphore_mem>>) src(%dma_wait3A_79 : memref<16x128xf32, #tpu.memory_space<vmem>>) dst(%dma_wait3A_77 : memref<16x128xf32, #tpu.memory_space<vmem_shared>>)
        tpu.yield
      }) : () -> ()
    } else {
    }
    %barrier3A = arith.constant 0 : index
    tpu.barrier barrier_id(%barrier3A)
    %broadcast_in_dim3A_46 = arith.constant 1.000000e+00 : f32
    %broadcast_in_dim3A_47 = vector.broadcast %broadcast_in_dim3A_46 : f32 to vector<16xf32>
    %scan3A_48 = arith.constant 0 : i32
    %scan3A_49 = arith.constant 0 : i32
    %scan3A_50 = arith.constant 625 : i32
    %scan3A_51 = arith.addi %scan3A_49, %scan3A_50 : i32
    %scan3A_52 = arith.constant 1 : i32
    %scan3A_53 = scf.for %scan3A_61 = %scan3A_49 to %scan3A_51 step %scan3A_52 iter_args(%scan3A_62 = %scan3A_48) -> (i32)  : i32 {
      %mul3A_63 = arith.constant 16 : i32
      %mul3A_64 = arith.muli %scan3A_61, %mul3A_63 : i32
      %get3A = arith.index_cast %mul3A_64 : i32 to index
      %get3A_65 = tpu.vector_load %arg4[%get3A] {strides = array<i32>} : memref<10000xi32, #tpu.memory_space<vmem>>, vector<16xi32>,
      %shift_right_arithmetic3A = arith.constant 7 : i32
      %shift_right_arithmetic3A_66 = vector.broadcast %shift_right_arithmetic3A : i32 to vector<16xi32>
      %shift_right_arithmetic3A_67 = arith.shrsi %get3A_65, %shift_right_arithmetic3A_66 : vector<16xi32>
      %and3A = arith.constant 127 : i32
      %and3A_68 = vector.broadcast %and3A : i32 to vector<16xi32>
      %and3A_69 = arith.andi %get3A_65, %and3A_68 : vector<16xi32>
      tpu.vector_store_idx %arg5[%shift_right_arithmetic3A_67, %and3A_69], %broadcast_in_dim3A_47 {add = true} : memref<80x128xf32, #tpu.memory_space<vmem>>[vector<16xi32>, vector<16xi32>], vector<16xf32>,
      %scan3A_70 = arith.constant 0 : i32
      scf.yield %scan3A_70 : i32
    }
    %scan3A_54 = arith.constant 625 : i32
    %run_scoped3A = arith.constant 0 : i32
    "tpu.region"() ({
      %run_scoped3A_61 = tpu.sem_alloc : memref<!tpu.dma_semaphore, #tpu.memory_space<semaphore_mem>>
      %dma_start3A = arith.constant 0 : i32
      %dma_start3A_62 = tpu.memref_slice %arg6[%run_scoped3A, %dma_start3A] : memref<1x80xi32, #tpu.memory_space<vmem>> -> memref<1x80xi32, #tpu.memory_space<vmem>>
      %dma_start3A_63 = tpu.memref_squeeze %dma_start3A_62 : memref<1x80xi32, #tpu.memory_space<vmem>> -> memref<80xi32, #tpu.memory_space<vmem>>
      %dma_start3A_64 = arith.constant 0 : i32
      %dma_start3A_65 = arith.constant 0 : i32
      %dma_start3A_66 = tpu.memref_slice %arg7[%dma_start3A_64, %dma_start3A_65] : memref<80x128xf32, #tpu.memory_space<vmem_shared>> -> memref<80x128xf32, #tpu.memory_space<vmem_shared>>
      tpu.enqueue_indirect_dma source(%arg5 : memref<80x128xf32, #tpu.memory_space<vmem>>) target(%dma_start3A_66 : memref<80x128xf32, #tpu.memory_space<vmem_shared>>) offsets(%dma_start3A_63 : memref<80xi32, #tpu.memory_space<vmem>>) semaphore(%run_scoped3A_61 : memref<!tpu.dma_semaphore, #tpu.memory_space<semaphore_mem>>) {add = true}
      %dma_wait3A = arith.constant 0 : i32
      %dma_wait3A_67 = tpu.memref_slice %arg6[%run_scoped3A, %dma_wait3A] : memref<1x80xi32, #tpu.memory_space<vmem>> -> memref<1x80xi32, #tpu.memory_space<vmem>>
      %dma_wait3A_68 = tpu.memref_squeeze %dma_wait3A_67 : memref<1x80xi32, #tpu.memory_space<vmem>> -> memref<80xi32, #tpu.memory_space<vmem>>
      %dma_wait3A_69 = arith.constant 0 : i32
      %dma_wait3A_70 = arith.constant 0 : i32
      %dma_wait3A_71 = tpu.memref_slice %arg7[%dma_wait3A_69, %dma_wait3A_70] : memref<80x128xf32, #tpu.memory_space<vmem_shared>> -> memref<80x128xf32, #tpu.memory_space<vmem_shared>>
      tpu.wait_indirect_dma semaphore(%run_scoped3A_61 : memref<!tpu.dma_semaphore, #tpu.memory_space<semaphore_mem>>) src(%arg5 : memref<80x128xf32, #tpu.memory_space<vmem>>) dst(%dma_wait3A_71 : memref<80x128xf32, #tpu.memory_space<vmem_shared>>)
      tpu.yield
    }) : () -> ()
    %barrier3A_55 = arith.constant 0 : index
    tpu.barrier barrier_id(%barrier3A_55)
    %lt3A_56 = arith.constant 5 : i32
    %lt3A_57 = arith.cmpi slt, %arg1, %lt3A_56 : i32
    %convert_element_type3A_58 = arith.extui %lt3A_57 : i1 to i32
    %cond3A_59 = arith.constant 0 : i32
    %cond3A_60 = arith.cmpi ne, %convert_element_type3A_58, %cond3A_59 : i32
    scf.if %cond3A_60 {
      %mul3A_61 = arith.constant 16 : i32
      %mul3A_62 = arith.muli %arg1, %mul3A_61 : i32
      %mul3A_63 = arith.constant 16 : i32
      %mul3A_64 = arith.muli %arg1, %mul3A_63 : i32
      "tpu.region"() ({
        %run_scoped3A_65 = tpu.sem_alloc : memref<!tpu.dma_semaphore, #tpu.memory_space<semaphore_mem>>
        %dma_start3A = arith.constant 0 : i32
        %dma_start3A_66 = tpu.memref_slice %arg3[%arg0, %mul3A_64, %dma_start3A] : memref<2x80x128xf32, #tpu.memory_space<hbm>> -> memref<1x16x128xf32, #tpu.memory_space<hbm>>
        %dma_start3A_67 = tpu.memref_squeeze %dma_start3A_66 : memref<1x16x128xf32, #tpu.memory_space<hbm>> -> memref<16x128xf32, #tpu.memory_space<hbm>>
        %dma_start3A_68 = arith.constant 0 : i32
        %dma_start3A_69 = tpu.memref_slice %arg7[%mul3A_62, %dma_start3A_68] : memref<80x128xf32, #tpu.memory_space<vmem_shared>> -> memref<16x128xf32, #tpu.memory_space<vmem_shared>>
        tpu.enqueue_dma source(%dma_start3A_69 : memref<16x128xf32, #tpu.memory_space<vmem_shared>>) target(%dma_start3A_67 : memref<16x128xf32, #tpu.memory_space<hbm>>) target_semaphore(%run_scoped3A_65 : memref<!tpu.dma_semaphore, #tpu.memory_space<semaphore_mem>>)
        %dma_wait3A = arith.constant 0 : i32
        %dma_wait3A_70 = tpu.memref_slice %arg3[%arg0, %mul3A_64, %dma_wait3A] : memref<2x80x128xf32, #tpu.memory_space<hbm>> -> memref<1x16x128xf32, #tpu.memory_space<hbm>>
        %dma_wait3A_71 = tpu.memref_squeeze %dma_wait3A_70 : memref<1x16x128xf32, #tpu.memory_space<hbm>> -> memref<16x128xf32, #tpu.memory_space<hbm>>
        %dma_wait3A_72 = arith.constant 0 : i32
        %dma_wait3A_73 = tpu.memref_slice %arg7[%mul3A_62, %dma_wait3A_72] : memref<80x128xf32, #tpu.memory_space<vmem_shared>> -> memref<16x128xf32, #tpu.memory_space<vmem_shared>>
        tpu.wait_dma2 semaphore(%run_scoped3A_65 : memref<!tpu.dma_semaphore, #tpu.memory_space<semaphore_mem>>) src(%dma_wait3A_73 : memref<16x128xf32, #tpu.memory_space<vmem_shared>>) dst(%dma_wait3A_71 : memref<16x128xf32, #tpu.memory_space<hbm>>)
        tpu.yield
      }) : () -> ()
    } else {
    }
    return
  }
}

#map = affine_map<(d0, d1) -> (0)>
#map1 = affine_map<(d0, d1) -> (0, 0, 0)>
module attributes {stable_mosaic.version = 14 : i64} {
  func.func @_agg2(%arg0: i32, %arg1: i32, %arg2: memref<20480xf32, #tpu.memory_space<hbm>>, %arg3: memref<320000xi32, #tpu.memory_space<hbm>>, %arg4: memref<320000xi32, #tpu.memory_space<hbm>>, %arg5: memref<2x160x128xf32, #tpu.memory_space<hbm>>, %arg6: memref<10000xi32, #tpu.memory_space<vmem>>, %arg7: memref<10000xi32, #tpu.memory_space<vmem>>, %arg8: memref<20480xf32, #tpu.memory_space<vmem>>, %arg9: memref<160x128xf32, #tpu.memory_space<vmem>>, %arg10: memref<1x160xi32, #tpu.memory_space<vmem>>, %arg11: memref<160x128xf32, #tpu.memory_space<vmem_shared>>, %arg12: memref<3x!tpu.dma_semaphore, #tpu.memory_space<semaphore_mem>>) attributes {dimension_semantics = [#tpu.dimension_semantics<core_parallel>, #tpu.dimension_semantics<subcore_parallel>], iteration_bounds = array<i64: 2, 16>, scalar_prefetch = 0 : i64, scratch_operands = 7 : i64, tpu.core_type = #tpu.core_type<sc_vector_subcore>, window_params = [{transform_indices = #map}, {transform_indices = #map}, {transform_indices = #map}, {transform_indices = #map1}]} {
    %mul3A = arith.constant 16 : i32
    %mul3A_0 = arith.muli %arg0, %mul3A : i32
    %add3A = arith.addi %mul3A_0, %arg1 : i32
    %mul3A_1 = arith.constant 10000 : i32
    %mul3A_2 = arith.muli %add3A, %mul3A_1 : i32
    %mul3A_3 = arith.constant 10000 : i32
    %mul3A_4 = arith.muli %add3A, %mul3A_3 : i32
    %dma_start3A = arith.constant 0 : i32
    %dma_start3A_5 = tpu.memref_slice %arg3[%mul3A_2] : memref<320000xi32, #tpu.memory_space<hbm>> -> memref<10000xi32, #tpu.memory_space<hbm>>
    %dma_start3A_6 = tpu.memref_slice %arg12[%dma_start3A] : memref<3x!tpu.dma_semaphore, #tpu.memory_space<semaphore_mem>> -> memref<1x!tpu.dma_semaphore, #tpu.memory_space<semaphore_mem>>
    %dma_start3A_7 = tpu.memref_squeeze %dma_start3A_6 : memref<1x!tpu.dma_semaphore, #tpu.memory_space<semaphore_mem>> -> memref<!tpu.dma_semaphore, #tpu.memory_space<semaphore_mem>>
    %dma_start3A_8 = tpu.memref_slice %arg3[%mul3A_2] : memref<320000xi32, #tpu.memory_space<hbm>> -> memref<10000xi32, #tpu.memory_space<hbm>>
    tpu.enqueue_dma source(%dma_start3A_8 : memref<10000xi32, #tpu.memory_space<hbm>>) target(%arg6 : memref<10000xi32, #tpu.memory_space<vmem>>) target_semaphore(%dma_start3A_7 : memref<!tpu.dma_semaphore, #tpu.memory_space<semaphore_mem>>)
    %dma_start3A_9 = arith.constant 1 : i32
    %dma_start3A_10 = tpu.memref_slice %arg4[%mul3A_4] : memref<320000xi32, #tpu.memory_space<hbm>> -> memref<10000xi32, #tpu.memory_space<hbm>>
    %dma_start3A_11 = tpu.memref_slice %arg12[%dma_start3A_9] : memref<3x!tpu.dma_semaphore, #tpu.memory_space<semaphore_mem>> -> memref<1x!tpu.dma_semaphore, #tpu.memory_space<semaphore_mem>>
    %dma_start3A_12 = tpu.memref_squeeze %dma_start3A_11 : memref<1x!tpu.dma_semaphore, #tpu.memory_space<semaphore_mem>> -> memref<!tpu.dma_semaphore, #tpu.memory_space<semaphore_mem>>
    %dma_start3A_13 = tpu.memref_slice %arg4[%mul3A_4] : memref<320000xi32, #tpu.memory_space<hbm>> -> memref<10000xi32, #tpu.memory_space<hbm>>
    tpu.enqueue_dma source(%dma_start3A_13 : memref<10000xi32, #tpu.memory_space<hbm>>) target(%arg7 : memref<10000xi32, #tpu.memory_space<vmem>>) target_semaphore(%dma_start3A_12 : memref<!tpu.dma_semaphore, #tpu.memory_space<semaphore_mem>>)
    %dma_start3A_14 = arith.constant 2 : i32
    %dma_start3A_15 = tpu.memref_slice %arg12[%dma_start3A_14] : memref<3x!tpu.dma_semaphore, #tpu.memory_space<semaphore_mem>> -> memref<1x!tpu.dma_semaphore, #tpu.memory_space<semaphore_mem>>
    %dma_start3A_16 = tpu.memref_squeeze %dma_start3A_15 : memref<1x!tpu.dma_semaphore, #tpu.memory_space<semaphore_mem>> -> memref<!tpu.dma_semaphore, #tpu.memory_space<semaphore_mem>>
    tpu.enqueue_dma source(%arg2 : memref<20480xf32, #tpu.memory_space<hbm>>) target(%arg8 : memref<20480xf32, #tpu.memory_space<vmem>>) target_semaphore(%dma_start3A_16 : memref<!tpu.dma_semaphore, #tpu.memory_space<semaphore_mem>>)
    %broadcast_in_dim3A = arith.constant 0.000000e+00 : f32
    %broadcast_in_dim3A_17 = vector.broadcast %broadcast_in_dim3A : f32 to vector<16xf32>
    %scan3A = arith.constant 0 : i32
    %scan3A_18 = arith.constant 0 : i32
    %scan3A_19 = arith.constant 1280 : i32
    %scan3A_20 = arith.addi %scan3A_18, %scan3A_19 : i32
    %scan3A_21 = arith.constant 1 : i32
    %scan3A_22 = scf.for %scan3A_120 = %scan3A_18 to %scan3A_20 step %scan3A_21 iter_args(%scan3A_121 = %scan3A) -> (i32)  : i32 {
      %jit3A = arith.constant 8 : i32
      %div3A = arith.divsi %scan3A_120, %jit3A : i32
      %sign3A = arith.constant 0 : i32
      %sign3A_122 = arith.cmpi sgt, %scan3A_120, %sign3A : i32
      %sign3A_123 = arith.extui %sign3A_122 : i1 to i32
      %sign3A_124 = arith.constant 0 : i32
      %sign3A_125 = arith.cmpi slt, %scan3A_120, %sign3A_124 : i32
      %sign3A_126 = arith.extui %sign3A_125 : i1 to i32
      %sign3A_127 = arith.subi %sign3A_123, %sign3A_126 : i32
      %sign3A_128 = arith.constant 0 : i32
      %sign3A_129 = arith.cmpi sgt, %jit3A, %sign3A_128 : i32
      %sign3A_130 = arith.extui %sign3A_129 : i1 to i32
      %sign3A_131 = arith.constant 0 : i32
      %sign3A_132 = arith.cmpi slt, %jit3A, %sign3A_131 : i32
      %sign3A_133 = arith.extui %sign3A_132 : i1 to i32
      %sign3A_134 = arith.subi %sign3A_130, %sign3A_133 : i32
      %ne3A = arith.cmpi ne, %sign3A_127, %sign3A_134 : i32
      %rem3A = arith.remsi %scan3A_120, %jit3A : i32
      %ne3A_135 = arith.constant 0 : i32
      %ne3A_136 = arith.cmpi ne, %rem3A, %ne3A_135 : i32
      %and3A = arith.andi %ne3A, %ne3A_136 : i1
      %sub3A = arith.constant 1 : i32
      %sub3A_137 = arith.subi %div3A, %sub3A : i32
      %select_n3A = arith.select %and3A, %sub3A_137, %div3A : i32
      %jit3A_138 = arith.constant 8 : i32
      %eq3A = arith.constant 0 : i32
      %eq3A_139 = arith.cmpi eq, %jit3A_138, %eq3A : i32
      %jit3A_140 = arith.constant 1 : i32
      %select_n3A_141 = arith.select %eq3A_139, %jit3A_140, %jit3A_138 : i32
      %rem3A_142 = arith.remsi %scan3A_120, %select_n3A_141 : i32
      %ne3A_143 = arith.constant 0 : i32
      %ne3A_144 = arith.cmpi ne, %rem3A_142, %ne3A_143 : i32
      %lt3A_145 = arith.constant 0 : i32
      %lt3A_146 = arith.cmpi slt, %rem3A_142, %lt3A_145 : i32
      %lt3A_147 = arith.constant 0 : i32
      %lt3A_148 = arith.cmpi slt, %select_n3A_141, %lt3A_147 : i32
      %ne3A_149 = arith.xori %lt3A_146, %lt3A_148 : i1
      %and3A_150 = arith.andi %ne3A_149, %ne3A_144 : i1
      %add3A_151 = arith.addi %rem3A_142, %select_n3A_141 : i32
      %select_n3A_152 = arith.select %and3A_150, %add3A_151, %rem3A_142 : i32
      %mul3A_153 = arith.constant 16 : i32
      %mul3A_154 = arith.muli %select_n3A_152, %mul3A_153 : i32
      %swap3A_155 = arith.index_cast %select_n3A : i32 to index
      %swap3A_156 = arith.index_cast %mul3A_154 : i32 to index
      %swap3A_157 = tpu.vector_load %arg9[%swap3A_155, %swap3A_156] {strides = array<i32>} : memref<160x128xf32, #tpu.memory_space<vmem>>, vector<16xf32>,
      tpu.vector_store %arg9[%swap3A_155, %swap3A_156], %broadcast_in_dim3A_17 {strides = array<i32>} : memref<160x128xf32, #tpu.memory_space<vmem>>, vector<16xf32>,
      %scan3A_158 = arith.constant 0 : i32
      scf.yield %scan3A_158 : i32
    }
    %scan3A_23 = arith.constant 1280 : i32
    %iota3A = tpu.iota {dimensions = array<i32: 0>} : vector<16xi32>
    %add3A_24 = arith.constant 0 : i32
    %add3A_25 = vector.broadcast %add3A_24 : i32 to vector<16xi32>
    %add3A_26 = arith.addi %iota3A, %add3A_25 : vector<16xi32>
    %swap3A = arith.constant 0 : i32
    %swap3A_27 = arith.index_cast %swap3A : i32 to index
    %swap3A_28 = arith.constant 0 : index
    %swap3A_29 = tpu.vector_load %arg10[%swap3A_27, %swap3A_28] {strides = array<i32>} : memref<1x160xi32, #tpu.memory_space<vmem>>, vector<16xi32>,
    tpu.vector_store %arg10[%swap3A_27, %swap3A_28], %add3A_26 {strides = array<i32>} : memref<1x160xi32, #tpu.memory_space<vmem>>, vector<16xi32>,
    %add3A_30 = arith.constant 16 : i32
    %add3A_31 = vector.broadcast %add3A_30 : i32 to vector<16xi32>
    %add3A_32 = arith.addi %iota3A, %add3A_31 : vector<16xi32>
    %swap3A_33 = arith.constant 0 : i32
    %swap3A_34 = arith.index_cast %swap3A_33 : i32 to index
    %swap3A_35 = arith.constant 16 : index
    %swap3A_36 = tpu.vector_load %arg10[%swap3A_34, %swap3A_35] {strides = array<i32>} : memref<1x160xi32, #tpu.memory_space<vmem>>, vector<16xi32>,
    tpu.vector_store %arg10[%swap3A_34, %swap3A_35], %add3A_32 {strides = array<i32>} : memref<1x160xi32, #tpu.memory_space<vmem>>, vector<16xi32>,
    %add3A_37 = arith.constant 32 : i32
    %add3A_38 = vector.broadcast %add3A_37 : i32 to vector<16xi32>
    %add3A_39 = arith.addi %iota3A, %add3A_38 : vector<16xi32>
    %swap3A_40 = arith.constant 0 : i32
    %swap3A_41 = arith.index_cast %swap3A_40 : i32 to index
    %swap3A_42 = arith.constant 32 : index
    %swap3A_43 = tpu.vector_load %arg10[%swap3A_41, %swap3A_42] {strides = array<i32>} : memref<1x160xi32, #tpu.memory_space<vmem>>, vector<16xi32>,
    tpu.vector_store %arg10[%swap3A_41, %swap3A_42], %add3A_39 {strides = array<i32>} : memref<1x160xi32, #tpu.memory_space<vmem>>, vector<16xi32>,
    %add3A_44 = arith.constant 48 : i32
    %add3A_45 = vector.broadcast %add3A_44 : i32 to vector<16xi32>
    %add3A_46 = arith.addi %iota3A, %add3A_45 : vector<16xi32>
    %swap3A_47 = arith.constant 0 : i32
    %swap3A_48 = arith.index_cast %swap3A_47 : i32 to index
    %swap3A_49 = arith.constant 48 : index
    %swap3A_50 = tpu.vector_load %arg10[%swap3A_48, %swap3A_49] {strides = array<i32>} : memref<1x160xi32, #tpu.memory_space<vmem>>, vector<16xi32>,
    tpu.vector_store %arg10[%swap3A_48, %swap3A_49], %add3A_46 {strides = array<i32>} : memref<1x160xi32, #tpu.memory_space<vmem>>, vector<16xi32>,
    %add3A_51 = arith.constant 64 : i32
    %add3A_52 = vector.broadcast %add3A_51 : i32 to vector<16xi32>
    %add3A_53 = arith.addi %iota3A, %add3A_52 : vector<16xi32>
    %swap3A_54 = arith.constant 0 : i32
    %swap3A_55 = arith.index_cast %swap3A_54 : i32 to index
    %swap3A_56 = arith.constant 64 : index
    %swap3A_57 = tpu.vector_load %arg10[%swap3A_55, %swap3A_56] {strides = array<i32>} : memref<1x160xi32, #tpu.memory_space<vmem>>, vector<16xi32>,
    tpu.vector_store %arg10[%swap3A_55, %swap3A_56], %add3A_53 {strides = array<i32>} : memref<1x160xi32, #tpu.memory_space<vmem>>, vector<16xi32>,
    %add3A_58 = arith.constant 80 : i32
    %add3A_59 = vector.broadcast %add3A_58 : i32 to vector<16xi32>
    %add3A_60 = arith.addi %iota3A, %add3A_59 : vector<16xi32>
    %swap3A_61 = arith.constant 0 : i32
    %swap3A_62 = arith.index_cast %swap3A_61 : i32 to index
    %swap3A_63 = arith.constant 80 : index
    %swap3A_64 = tpu.vector_load %arg10[%swap3A_62, %swap3A_63] {strides = array<i32>} : memref<1x160xi32, #tpu.memory_space<vmem>>, vector<16xi32>,
    tpu.vector_store %arg10[%swap3A_62, %swap3A_63], %add3A_60 {strides = array<i32>} : memref<1x160xi32, #tpu.memory_space<vmem>>, vector<16xi32>,
    %add3A_65 = arith.constant 96 : i32
    %add3A_66 = vector.broadcast %add3A_65 : i32 to vector<16xi32>
    %add3A_67 = arith.addi %iota3A, %add3A_66 : vector<16xi32>
    %swap3A_68 = arith.constant 0 : i32
    %swap3A_69 = arith.index_cast %swap3A_68 : i32 to index
    %swap3A_70 = arith.constant 96 : index
    %swap3A_71 = tpu.vector_load %arg10[%swap3A_69, %swap3A_70] {strides = array<i32>} : memref<1x160xi32, #tpu.memory_space<vmem>>, vector<16xi32>,
    tpu.vector_store %arg10[%swap3A_69, %swap3A_70], %add3A_67 {strides = array<i32>} : memref<1x160xi32, #tpu.memory_space<vmem>>, vector<16xi32>,
    %add3A_72 = arith.constant 112 : i32
    %add3A_73 = vector.broadcast %add3A_72 : i32 to vector<16xi32>
    %add3A_74 = arith.addi %iota3A, %add3A_73 : vector<16xi32>
    %swap3A_75 = arith.constant 0 : i32
    %swap3A_76 = arith.index_cast %swap3A_75 : i32 to index
    %swap3A_77 = arith.constant 112 : index
    %swap3A_78 = tpu.vector_load %arg10[%swap3A_76, %swap3A_77] {strides = array<i32>} : memref<1x160xi32, #tpu.memory_space<vmem>>, vector<16xi32>,
    tpu.vector_store %arg10[%swap3A_76, %swap3A_77], %add3A_74 {strides = array<i32>} : memref<1x160xi32, #tpu.memory_space<vmem>>, vector<16xi32>,
    %add3A_79 = arith.constant 128 : i32
    %add3A_80 = vector.broadcast %add3A_79 : i32 to vector<16xi32>
    %add3A_81 = arith.addi %iota3A, %add3A_80 : vector<16xi32>
    %swap3A_82 = arith.constant 0 : i32
    %swap3A_83 = arith.index_cast %swap3A_82 : i32 to index
    %swap3A_84 = arith.constant 128 : index
    %swap3A_85 = tpu.vector_load %arg10[%swap3A_83, %swap3A_84] {strides = array<i32>} : memref<1x160xi32, #tpu.memory_space<vmem>>, vector<16xi32>,
    tpu.vector_store %arg10[%swap3A_83, %swap3A_84], %add3A_81 {strides = array<i32>} : memref<1x160xi32, #tpu.memory_space<vmem>>, vector<16xi32>,
    %add3A_86 = arith.constant 144 : i32
    %add3A_87 = vector.broadcast %add3A_86 : i32 to vector<16xi32>
    %add3A_88 = arith.addi %iota3A, %add3A_87 : vector<16xi32>
    %swap3A_89 = arith.constant 0 : i32
    %swap3A_90 = arith.index_cast %swap3A_89 : i32 to index
    %swap3A_91 = arith.constant 144 : index
    %swap3A_92 = tpu.vector_load %arg10[%swap3A_90, %swap3A_91] {strides = array<i32>} : memref<1x160xi32, #tpu.memory_space<vmem>>, vector<16xi32>,
    tpu.vector_store %arg10[%swap3A_90, %swap3A_91], %add3A_88 {strides = array<i32>} : memref<1x160xi32, #tpu.memory_space<vmem>>, vector<16xi32>,
    %lt3A = arith.constant 10 : i32
    %lt3A_93 = arith.cmpi slt, %arg1, %lt3A : i32
    %convert_element_type3A = arith.extui %lt3A_93 : i1 to i32
    %cond3A = arith.constant 0 : i32
    %cond3A_94 = arith.cmpi ne, %convert_element_type3A, %cond3A : i32
    scf.if %cond3A_94 {
      %mul3A_120 = arith.constant 16 : i32
      %mul3A_121 = arith.muli %arg1, %mul3A_120 : i32
      %mul3A_122 = arith.constant 16 : i32
      %mul3A_123 = arith.muli %arg1, %mul3A_122 : i32
      "tpu.region"() ({
        %run_scoped3A_124 = tpu.sem_alloc : memref<!tpu.dma_semaphore, #tpu.memory_space<semaphore_mem>>
        %dma_start3A_125 = arith.constant 0 : i32
        %dma_start3A_126 = tpu.memref_slice %arg9[%mul3A_121, %dma_start3A_125] : memref<160x128xf32, #tpu.memory_space<vmem>> -> memref<16x128xf32, #tpu.memory_space<vmem>>
        %dma_start3A_127 = arith.constant 0 : i32
        %dma_start3A_128 = tpu.memref_slice %arg11[%mul3A_123, %dma_start3A_127] : memref<160x128xf32, #tpu.memory_space<vmem_shared>> -> memref<16x128xf32, #tpu.memory_space<vmem_shared>>
        %dma_start3A_129 = arith.constant 0 : i32
        %dma_start3A_130 = tpu.memref_slice %arg11[%mul3A_123, %dma_start3A_129] : memref<160x128xf32, #tpu.memory_space<vmem_shared>> -> memref<16x128xf32, #tpu.memory_space<vmem_shared>>
        %dma_start3A_131 = arith.constant 0 : i32
        %dma_start3A_132 = tpu.memref_slice %arg9[%mul3A_121, %dma_start3A_131] : memref<160x128xf32, #tpu.memory_space<vmem>> -> memref<16x128xf32, #tpu.memory_space<vmem>>
        tpu.enqueue_dma source(%dma_start3A_132 : memref<16x128xf32, #tpu.memory_space<vmem>>) target(%dma_start3A_130 : memref<16x128xf32, #tpu.memory_space<vmem_shared>>) target_semaphore(%run_scoped3A_124 : memref<!tpu.dma_semaphore, #tpu.memory_space<semaphore_mem>>)
        %dma_wait3A_133 = arith.constant 0 : i32
        %dma_wait3A_134 = tpu.memref_slice %arg9[%mul3A_121, %dma_wait3A_133] : memref<160x128xf32, #tpu.memory_space<vmem>> -> memref<16x128xf32, #tpu.memory_space<vmem>>
        %dma_wait3A_135 = arith.constant 0 : i32
        %dma_wait3A_136 = tpu.memref_slice %arg11[%mul3A_123, %dma_wait3A_135] : memref<160x128xf32, #tpu.memory_space<vmem_shared>> -> memref<16x128xf32, #tpu.memory_space<vmem_shared>>
        %dma_wait3A_137 = arith.constant 0 : i32
        %dma_wait3A_138 = tpu.memref_slice %arg11[%mul3A_123, %dma_wait3A_137] : memref<160x128xf32, #tpu.memory_space<vmem_shared>> -> memref<16x128xf32, #tpu.memory_space<vmem_shared>>
        %dma_wait3A_139 = arith.constant 0 : i32
        %dma_wait3A_140 = tpu.memref_slice %arg9[%mul3A_121, %dma_wait3A_139] : memref<160x128xf32, #tpu.memory_space<vmem>> -> memref<16x128xf32, #tpu.memory_space<vmem>>
        tpu.wait_dma2 semaphore(%run_scoped3A_124 : memref<!tpu.dma_semaphore, #tpu.memory_space<semaphore_mem>>) src(%dma_wait3A_140 : memref<16x128xf32, #tpu.memory_space<vmem>>) dst(%dma_wait3A_138 : memref<16x128xf32, #tpu.memory_space<vmem_shared>>)
        tpu.yield
      }) : () -> ()
    } else {
    }
    %dma_wait3A = arith.constant 0 : i32
    %dma_wait3A_95 = tpu.memref_slice %arg3[%mul3A_2] : memref<320000xi32, #tpu.memory_space<hbm>> -> memref<10000xi32, #tpu.memory_space<hbm>>
    %dma_wait3A_96 = tpu.memref_slice %arg12[%dma_wait3A] : memref<3x!tpu.dma_semaphore, #tpu.memory_space<semaphore_mem>> -> memref<1x!tpu.dma_semaphore, #tpu.memory_space<semaphore_mem>>
    %dma_wait3A_97 = tpu.memref_squeeze %dma_wait3A_96 : memref<1x!tpu.dma_semaphore, #tpu.memory_space<semaphore_mem>> -> memref<!tpu.dma_semaphore, #tpu.memory_space<semaphore_mem>>
    %dma_wait3A_98 = tpu.memref_slice %arg3[%mul3A_2] : memref<320000xi32, #tpu.memory_space<hbm>> -> memref<10000xi32, #tpu.memory_space<hbm>>
    tpu.wait_dma2 semaphore(%dma_wait3A_97 : memref<!tpu.dma_semaphore, #tpu.memory_space<semaphore_mem>>) src(%dma_wait3A_98 : memref<10000xi32, #tpu.memory_space<hbm>>) dst(%arg6 : memref<10000xi32, #tpu.memory_space<vmem>>)
    %dma_wait3A_99 = arith.constant 1 : i32
    %dma_wait3A_100 = tpu.memref_slice %arg4[%mul3A_4] : memref<320000xi32, #tpu.memory_space<hbm>> -> memref<10000xi32, #tpu.memory_space<hbm>>
    %dma_wait3A_101 = tpu.memref_slice %arg12[%dma_wait3A_99] : memref<3x!tpu.dma_semaphore, #tpu.memory_space<semaphore_mem>> -> memref<1x!tpu.dma_semaphore, #tpu.memory_space<semaphore_mem>>
    %dma_wait3A_102 = tpu.memref_squeeze %dma_wait3A_101 : memref<1x!tpu.dma_semaphore, #tpu.memory_space<semaphore_mem>> -> memref<!tpu.dma_semaphore, #tpu.memory_space<semaphore_mem>>
    %dma_wait3A_103 = tpu.memref_slice %arg4[%mul3A_4] : memref<320000xi32, #tpu.memory_space<hbm>> -> memref<10000xi32, #tpu.memory_space<hbm>>
    tpu.wait_dma2 semaphore(%dma_wait3A_102 : memref<!tpu.dma_semaphore, #tpu.memory_space<semaphore_mem>>) src(%dma_wait3A_103 : memref<10000xi32, #tpu.memory_space<hbm>>) dst(%arg7 : memref<10000xi32, #tpu.memory_space<vmem>>)
    %dma_wait3A_104 = arith.constant 2 : i32
    %dma_wait3A_105 = tpu.memref_slice %arg12[%dma_wait3A_104] : memref<3x!tpu.dma_semaphore, #tpu.memory_space<semaphore_mem>> -> memref<1x!tpu.dma_semaphore, #tpu.memory_space<semaphore_mem>>
    %dma_wait3A_106 = tpu.memref_squeeze %dma_wait3A_105 : memref<1x!tpu.dma_semaphore, #tpu.memory_space<semaphore_mem>> -> memref<!tpu.dma_semaphore, #tpu.memory_space<semaphore_mem>>
    tpu.wait_dma2 semaphore(%dma_wait3A_106 : memref<!tpu.dma_semaphore, #tpu.memory_space<semaphore_mem>>) src(%arg2 : memref<20480xf32, #tpu.memory_space<hbm>>) dst(%arg8 : memref<20480xf32, #tpu.memory_space<vmem>>)
    %barrier3A = arith.constant 0 : index
    tpu.barrier barrier_id(%barrier3A)
    %scan3A_107 = arith.constant 0 : i32
    %scan3A_108 = arith.constant 0 : i32
    %scan3A_109 = arith.constant 625 : i32
    %scan3A_110 = arith.addi %scan3A_108, %scan3A_109 : i32
    %scan3A_111 = arith.constant 1 : i32
    %scan3A_112 = scf.for %scan3A_120 = %scan3A_108 to %scan3A_110 step %scan3A_111 iter_args(%scan3A_121 = %scan3A_107) -> (i32)  : i32 {
      %mul3A_122 = arith.constant 16 : i32
      %mul3A_123 = arith.muli %scan3A_120, %mul3A_122 : i32
      %get3A = arith.index_cast %mul3A_123 : i32 to index
      %get3A_124 = tpu.vector_load %arg6[%get3A] {strides = array<i32>} : memref<10000xi32, #tpu.memory_space<vmem>>, vector<16xi32>,
      %mul3A_125 = arith.constant 16 : i32
      %mul3A_126 = arith.muli %scan3A_120, %mul3A_125 : i32
      %get3A_127 = arith.index_cast %mul3A_126 : i32 to index
      %get3A_128 = tpu.vector_load %arg7[%get3A_127] {strides = array<i32>} : memref<10000xi32, #tpu.memory_space<vmem>>, vector<16xi32>,
      %add3A_129 = arith.constant 0 : i32
      %add3A_130 = vector.broadcast %add3A_129 : i32 to vector<16xi32>
      %add3A_131 = arith.addi %get3A_124, %add3A_130 : vector<16xi32>
      %gather3A = tpu.vector_load_idx %arg8[%add3A_131] : memref<20480xf32, #tpu.memory_space<vmem>>[vector<16xi32>], vector<16xf32>,
      %add3A_132 = arith.constant 0 : i32
      %add3A_133 = vector.broadcast %add3A_132 : i32 to vector<16xi32>
      %add3A_134 = arith.addi %get3A_128, %add3A_133 : vector<16xi32>
      %shift_right_arithmetic3A = arith.constant 7 : i32
      %shift_right_arithmetic3A_135 = vector.broadcast %shift_right_arithmetic3A : i32 to vector<16xi32>
      %shift_right_arithmetic3A_136 = arith.shrsi %add3A_134, %shift_right_arithmetic3A_135 : vector<16xi32>
      %and3A = arith.constant 127 : i32
      %and3A_137 = vector.broadcast %and3A : i32 to vector<16xi32>
      %and3A_138 = arith.andi %add3A_134, %and3A_137 : vector<16xi32>
      tpu.vector_store_idx %arg9[%shift_right_arithmetic3A_136, %and3A_138], %gather3A {add = true} : memref<160x128xf32, #tpu.memory_space<vmem>>[vector<16xi32>, vector<16xi32>], vector<16xf32>,
      %add3A_139 = arith.constant 10240 : i32
      %add3A_140 = vector.broadcast %add3A_139 : i32 to vector<16xi32>
      %add3A_141 = arith.addi %get3A_124, %add3A_140 : vector<16xi32>
      %gather3A_142 = tpu.vector_load_idx %arg8[%add3A_141] : memref<20480xf32, #tpu.memory_space<vmem>>[vector<16xi32>], vector<16xf32>,
      %add3A_143 = arith.constant 10240 : i32
      %add3A_144 = vector.broadcast %add3A_143 : i32 to vector<16xi32>
      %add3A_145 = arith.addi %get3A_128, %add3A_144 : vector<16xi32>
      %shift_right_arithmetic3A_146 = arith.constant 7 : i32
      %shift_right_arithmetic3A_147 = vector.broadcast %shift_right_arithmetic3A_146 : i32 to vector<16xi32>
      %shift_right_arithmetic3A_148 = arith.shrsi %add3A_145, %shift_right_arithmetic3A_147 : vector<16xi32>
      %and3A_149 = arith.constant 127 : i32
      %and3A_150 = vector.broadcast %and3A_149 : i32 to vector<16xi32>
      %and3A_151 = arith.andi %add3A_145, %and3A_150 : vector<16xi32>
      tpu.vector_store_idx %arg9[%shift_right_arithmetic3A_148, %and3A_151], %gather3A_142 {add = true} : memref<160x128xf32, #tpu.memory_space<vmem>>[vector<16xi32>, vector<16xi32>], vector<16xf32>,
      %scan3A_152 = arith.constant 0 : i32
      scf.yield %scan3A_152 : i32
    }
    %scan3A_113 = arith.constant 625 : i32
    %run_scoped3A = arith.constant 0 : i32
    "tpu.region"() ({
      %run_scoped3A_120 = tpu.sem_alloc : memref<!tpu.dma_semaphore, #tpu.memory_space<semaphore_mem>>
      %dma_start3A_121 = arith.constant 0 : i32
      %dma_start3A_122 = tpu.memref_slice %arg10[%run_scoped3A, %dma_start3A_121] : memref<1x160xi32, #tpu.memory_space<vmem>> -> memref<1x160xi32, #tpu.memory_space<vmem>>
      %dma_start3A_123 = tpu.memref_squeeze %dma_start3A_122 : memref<1x160xi32, #tpu.memory_space<vmem>> -> memref<160xi32, #tpu.memory_space<vmem>>
      %dma_start3A_124 = arith.constant 0 : i32
      %dma_start3A_125 = arith.constant 0 : i32
      %dma_start3A_126 = tpu.memref_slice %arg11[%dma_start3A_124, %dma_start3A_125] : memref<160x128xf32, #tpu.memory_space<vmem_shared>> -> memref<160x128xf32, #tpu.memory_space<vmem_shared>>
      tpu.enqueue_indirect_dma source(%arg9 : memref<160x128xf32, #tpu.memory_space<vmem>>) target(%dma_start3A_126 : memref<160x128xf32, #tpu.memory_space<vmem_shared>>) offsets(%dma_start3A_123 : memref<160xi32, #tpu.memory_space<vmem>>) semaphore(%run_scoped3A_120 : memref<!tpu.dma_semaphore, #tpu.memory_space<semaphore_mem>>) {add = true}
      %dma_wait3A_127 = arith.constant 0 : i32
      %dma_wait3A_128 = tpu.memref_slice %arg10[%run_scoped3A, %dma_wait3A_127] : memref<1x160xi32, #tpu.memory_space<vmem>> -> memref<1x160xi32, #tpu.memory_space<vmem>>
      %dma_wait3A_129 = tpu.memref_squeeze %dma_wait3A_128 : memref<1x160xi32, #tpu.memory_space<vmem>> -> memref<160xi32, #tpu.memory_space<vmem>>
      %dma_wait3A_130 = arith.constant 0 : i32
      %dma_wait3A_131 = arith.constant 0 : i32
      %dma_wait3A_132 = tpu.memref_slice %arg11[%dma_wait3A_130, %dma_wait3A_131] : memref<160x128xf32, #tpu.memory_space<vmem_shared>> -> memref<160x128xf32, #tpu.memory_space<vmem_shared>>
      tpu.wait_indirect_dma semaphore(%run_scoped3A_120 : memref<!tpu.dma_semaphore, #tpu.memory_space<semaphore_mem>>) src(%arg9 : memref<160x128xf32, #tpu.memory_space<vmem>>) dst(%dma_wait3A_132 : memref<160x128xf32, #tpu.memory_space<vmem_shared>>)
      tpu.yield
    }) : () -> ()
    %barrier3A_114 = arith.constant 0 : index
    tpu.barrier barrier_id(%barrier3A_114)
    %lt3A_115 = arith.constant 10 : i32
    %lt3A_116 = arith.cmpi slt, %arg1, %lt3A_115 : i32
    %convert_element_type3A_117 = arith.extui %lt3A_116 : i1 to i32
    %cond3A_118 = arith.constant 0 : i32
    %cond3A_119 = arith.cmpi ne, %convert_element_type3A_117, %cond3A_118 : i32
    scf.if %cond3A_119 {
      %mul3A_120 = arith.constant 16 : i32
      %mul3A_121 = arith.muli %arg1, %mul3A_120 : i32
      %mul3A_122 = arith.constant 16 : i32
      %mul3A_123 = arith.muli %arg1, %mul3A_122 : i32
      "tpu.region"() ({
        %run_scoped3A_124 = tpu.sem_alloc : memref<!tpu.dma_semaphore, #tpu.memory_space<semaphore_mem>>
        %dma_start3A_125 = arith.constant 0 : i32
        %dma_start3A_126 = tpu.memref_slice %arg5[%arg0, %mul3A_123, %dma_start3A_125] : memref<2x160x128xf32, #tpu.memory_space<hbm>> -> memref<1x16x128xf32, #tpu.memory_space<hbm>>
        %dma_start3A_127 = tpu.memref_squeeze %dma_start3A_126 : memref<1x16x128xf32, #tpu.memory_space<hbm>> -> memref<16x128xf32, #tpu.memory_space<hbm>>
        %dma_start3A_128 = arith.constant 0 : i32
        %dma_start3A_129 = tpu.memref_slice %arg11[%mul3A_121, %dma_start3A_128] : memref<160x128xf32, #tpu.memory_space<vmem_shared>> -> memref<16x128xf32, #tpu.memory_space<vmem_shared>>
        tpu.enqueue_dma source(%dma_start3A_129 : memref<16x128xf32, #tpu.memory_space<vmem_shared>>) target(%dma_start3A_127 : memref<16x128xf32, #tpu.memory_space<hbm>>) target_semaphore(%run_scoped3A_124 : memref<!tpu.dma_semaphore, #tpu.memory_space<semaphore_mem>>)
        %dma_wait3A_130 = arith.constant 0 : i32
        %dma_wait3A_131 = tpu.memref_slice %arg5[%arg0, %mul3A_123, %dma_wait3A_130] : memref<2x160x128xf32, #tpu.memory_space<hbm>> -> memref<1x16x128xf32, #tpu.memory_space<hbm>>
        %dma_wait3A_132 = tpu.memref_squeeze %dma_wait3A_131 : memref<1x16x128xf32, #tpu.memory_space<hbm>> -> memref<16x128xf32, #tpu.memory_space<hbm>>
        %dma_wait3A_133 = arith.constant 0 : i32
        %dma_wait3A_134 = tpu.memref_slice %arg11[%mul3A_121, %dma_wait3A_133] : memref<160x128xf32, #tpu.memory_space<vmem_shared>> -> memref<16x128xf32, #tpu.memory_space<vmem_shared>>
        tpu.wait_dma2 semaphore(%run_scoped3A_124 : memref<!tpu.dma_semaphore, #tpu.memory_space<semaphore_mem>>) src(%dma_wait3A_134 : memref<16x128xf32, #tpu.memory_space<vmem_shared>>) dst(%dma_wait3A_132 : memref<16x128xf32, #tpu.memory_space<hbm>>)
        tpu.yield
      }) : () -> ()
    } else {
    }
    return
  }
}

module attributes {stable_mosaic.version = 14 : i64} {
  func.func @_tc_scale_in(%arg0: i32, %arg1: memref<165x1024xf32, #tpu.memory_space<vmem>>, %arg2: memref<165x128xf32, #tpu.memory_space<vmem>>, %arg3: memref<2x8x128xf32, #tpu.memory_space<vmem>>, %arg4: memref<1024x128xf32, #tpu.memory_space<vmem>>) attributes {dimension_semantics = [#tpu.dimension_semantics<arbitrary>], iteration_bounds = array<i64: 10>, scalar_prefetch = 0 : i64, scratch_operands = 0 : i64, tpu.core_type = #tpu.core_type<tc>, window_params = [{transform_indices = @transform_0, window_bounds = array<i64: 165, 1024>}, {pipeline_mode = #tpu.pipeline_mode<synchronous>, transform_indices = @transform_1, window_bounds = array<i64: 165, 128>}, {transform_indices = @transform_2, window_bounds = array<i64: 2, 8, 128>}, {transform_indices = @transform_3, window_bounds = array<i64: 1024, 128>}]} {
    %get3A = arith.constant 0 : index
    %get3A_0 = arith.constant 0 : index
    %get3A_1 = arith.constant 0 : index
    %get3A_2 = vector.load %arg3[%get3A, %get3A_0, %get3A_1] : memref<2x8x128xf32, #tpu.memory_space<vmem>>, vector<1x8x128xf32>
    %get3A_3 = vector.shape_cast %get3A_2 : vector<1x8x128xf32> to vector<8x128xf32>
    %get3A_4 = arith.constant 1 : index
    %get3A_5 = arith.constant 0 : index
    %get3A_6 = arith.constant 0 : index
    %get3A_7 = vector.load %arg3[%get3A_4, %get3A_5, %get3A_6] : memref<2x8x128xf32, #tpu.memory_space<vmem>>, vector<1x8x128xf32>
    %get3A_8 = vector.shape_cast %get3A_7 : vector<1x8x128xf32> to vector<8x128xf32>
    %add3A = arith.addf %get3A_3, %get3A_8 : vector<8x128xf32>
    %add3A_9 = arith.constant 1.000000e+00 : f32
    %add3A_10 = vector.broadcast %add3A_9 : f32 to vector<8x128xf32>
    %add3A_11 = arith.addf %add3A, %add3A_10 : vector<8x128xf32>
    %rsqrt3A = math.rsqrt %add3A_11 : vector<8x128xf32>
    %broadcast_in_dim3A = vector.shape_cast %rsqrt3A : vector<8x128xf32> to vector<8x128x1xf32>
    %get3A_12 = arith.constant 0 : index
    %get3A_13 = arith.constant 0 : index
    %get3A_14 = vector.load %arg1[%get3A_12, %get3A_13] : memref<165x1024xf32, #tpu.memory_space<vmem>>, vector<165x1024xf32>
    %get3A_15 = arith.constant 0 : index
    %get3A_16 = arith.constant 0 : index
    %get3A_17 = vector.load %arg2[%get3A_15, %get3A_16] : memref<165x128xf32, #tpu.memory_space<vmem>>, vector<165x128xf32>
    %dot_general3A = arith.constant dense<0.000000e+00> : vector<1024x128xf32>
    %dot_general3A_18 = tpu.matmul %get3A_14, %get3A_17, %dot_general3A {dimension_numbers = #tpu.dot_dimension_numbers<[0], [0], [1], [1], [0, 1, 1, 1], [], []>, transpose_lhs_hint = false} : vector<165x1024xf32>, vector<165x128xf32>, vector<1024x128xf32> -> vector<1024x128xf32>
    %reshape3A = vector.shape_cast %dot_general3A_18 : vector<1024x128xf32> to vector<8x128x128xf32>
    %mul3A = vector.broadcast %broadcast_in_dim3A : vector<8x128x1xf32> to vector<8x128x128xf32>
    %mul3A_19 = arith.mulf %reshape3A, %mul3A : vector<8x128x128xf32>
    %reshape3A_20 = vector.shape_cast %mul3A_19 : vector<8x128x128xf32> to vector<1024x128xf32>
    %swap3A = arith.constant 0 : index
    %swap3A_21 = arith.constant 0 : index
    %swap3A_22 = vector.load %arg4[%swap3A, %swap3A_21] : memref<1024x128xf32, #tpu.memory_space<vmem>>, vector<1024x128xf32>
    tpu.vector_store %arg4[%swap3A, %swap3A_21], %reshape3A_20 {strides = array<i32>} : memref<1024x128xf32, #tpu.memory_space<vmem>>, vector<1024x128xf32>,
    return
  }
  func.func @transform_0(%arg0: i32) -> (i32, i32) {
    %c0_i32 = arith.constant 0 : i32
    %c0_i32_0 = arith.constant 0 : i32
    return %c0_i32, %arg0 : i32, i32
  }
  func.func @transform_1(%arg0: i32) -> (i32, i32) {
    %c0_i32 = arith.constant 0 : i32
    %c0_i32_0 = arith.constant 0 : i32
    %c0_i32_1 = arith.constant 0 : i32
    return %c0_i32, %c0_i32_0 : i32, i32
  }
  func.func @transform_2(%arg0: i32) -> (i32, i32, i32) {
    %c0_i32 = arith.constant 0 : i32
    %c0_i32_0 = arith.constant 0 : i32
    %c0_i32_1 = arith.constant 0 : i32
    return %c0_i32, %arg0, %c0_i32_0 : i32, i32, i32
  }
  func.func @transform_3(%arg0: i32) -> (i32, i32) {
    %c0_i32 = arith.constant 0 : i32
    %c0_i32_0 = arith.constant 0 : i32
    return %arg0, %c0_i32 : i32, i32
  }
}

module attributes {stable_mosaic.version = 14 : i64} {
  func.func @_tc_mid(%arg0: i32, %arg1: memref<2x1024x128xf32, #tpu.memory_space<vmem>>, %arg2: memref<1024x128xf32, #tpu.memory_space<vmem>>, %arg3: memref<2x8x128xf32, #tpu.memory_space<vmem>>, %arg4: memref<1x128xf32, #tpu.memory_space<vmem>>, %arg5: memref<128x2xf32, #tpu.memory_space<vmem>>, %arg6: memref<2x8x128xf32, #tpu.memory_space<vmem>>) attributes {dimension_semantics = [#tpu.dimension_semantics<arbitrary>], iteration_bounds = array<i64: 10>, scalar_prefetch = 0 : i64, scratch_operands = 0 : i64, tpu.core_type = #tpu.core_type<tc>, window_params = [{transform_indices = @transform_0, window_bounds = array<i64: 2, 1024, 128>}, {transform_indices = @transform_1, window_bounds = array<i64: 1024, 128>}, {transform_indices = @transform_2, window_bounds = array<i64: 2, 8, 128>}, {pipeline_mode = #tpu.pipeline_mode<synchronous>, transform_indices = @transform_3, window_bounds = array<i64: 1, 128>}, {pipeline_mode = #tpu.pipeline_mode<synchronous>, transform_indices = @transform_4, window_bounds = array<i64: 128, 2>}, {transform_indices = @transform_5, window_bounds = array<i64: 2, 8, 128>}]} {
    %get3A = arith.constant 0 : index
    %get3A_0 = arith.constant 0 : index
    %get3A_1 = arith.constant 0 : index
    %get3A_2 = vector.load %arg3[%get3A, %get3A_0, %get3A_1] : memref<2x8x128xf32, #tpu.memory_space<vmem>>, vector<1x8x128xf32>
    %get3A_3 = vector.shape_cast %get3A_2 : vector<1x8x128xf32> to vector<8x128xf32>
    %get3A_4 = arith.constant 1 : index
    %get3A_5 = arith.constant 0 : index
    %get3A_6 = arith.constant 0 : index
    %get3A_7 = vector.load %arg3[%get3A_4, %get3A_5, %get3A_6] : memref<2x8x128xf32, #tpu.memory_space<vmem>>, vector<1x8x128xf32>
    %get3A_8 = vector.shape_cast %get3A_7 : vector<1x8x128xf32> to vector<8x128xf32>
    %add3A = arith.addf %get3A_3, %get3A_8 : vector<8x128xf32>
    %add3A_9 = arith.constant 1.000000e+00 : f32
    %add3A_10 = vector.broadcast %add3A_9 : f32 to vector<8x128xf32>
    %add3A_11 = arith.addf %add3A, %add3A_10 : vector<8x128xf32>
    %rsqrt3A = math.rsqrt %add3A_11 : vector<8x128xf32>
    %broadcast_in_dim3A = vector.shape_cast %rsqrt3A : vector<8x128xf32> to vector<8x128x1xf32>
    %get3A_12 = arith.constant 0 : index
    %get3A_13 = arith.constant 0 : index
    %get3A_14 = arith.constant 0 : index
    %get3A_15 = vector.load %arg1[%get3A_12, %get3A_13, %get3A_14] : memref<2x1024x128xf32, #tpu.memory_space<vmem>>, vector<1x1024x128xf32>
    %get3A_16 = vector.shape_cast %get3A_15 : vector<1x1024x128xf32> to vector<1024x128xf32>
    %get3A_17 = arith.constant 1 : index
    %get3A_18 = arith.constant 0 : index
    %get3A_19 = arith.constant 0 : index
    %get3A_20 = vector.load %arg1[%get3A_17, %get3A_18, %get3A_19] : memref<2x1024x128xf32, #tpu.memory_space<vmem>>, vector<1x1024x128xf32>
    %get3A_21 = vector.shape_cast %get3A_20 : vector<1x1024x128xf32> to vector<1024x128xf32>
    %add3A_22 = arith.addf %get3A_16, %get3A_21 : vector<1024x128xf32>
    %get3A_23 = arith.constant 0 : index
    %get3A_24 = arith.constant 0 : index
    %get3A_25 = vector.load %arg2[%get3A_23, %get3A_24] : memref<1024x128xf32, #tpu.memory_space<vmem>>, vector<1024x128xf32>
    %add3A_26 = arith.addf %add3A_22, %get3A_25 : vector<1024x128xf32>
    %reshape3A = vector.shape_cast %add3A_26 : vector<1024x128xf32> to vector<8x128x128xf32>
    %mul3A = vector.broadcast %broadcast_in_dim3A : vector<8x128x1xf32> to vector<8x128x128xf32>
    %mul3A_27 = arith.mulf %reshape3A, %mul3A : vector<8x128x128xf32>
    %get3A_28 = arith.constant 0 : index
    %get3A_29 = arith.constant 0 : index
    %get3A_30 = vector.load %arg4[%get3A_28, %get3A_29] : memref<1x128xf32, #tpu.memory_space<vmem>>, vector<1x128xf32>
    %broadcast_in_dim3A_31 = vector.shape_cast %get3A_30 : vector<1x128xf32> to vector<1x1x128xf32>
    %add3A_32 = vector.broadcast %broadcast_in_dim3A_31 : vector<1x1x128xf32> to vector<8x128x128xf32>
    %add3A_33 = arith.addf %mul3A_27, %add3A_32 : vector<8x128x128xf32>
    %tanh3A = math.tanh %add3A_33 : vector<8x128x128xf32>
    %reshape3A_34 = vector.shape_cast %tanh3A : vector<8x128x128xf32> to vector<1024x128xf32>
    %get3A_35 = arith.constant 0 : index
    %get3A_36 = arith.constant 0 : index
    %get3A_37 = vector.load %arg5[%get3A_35, %get3A_36] : memref<128x2xf32, #tpu.memory_space<vmem>>, vector<128x2xf32>
    %dot_general3A = arith.constant dense<0.000000e+00> : vector<1024x2xf32>
    %dot_general3A_38 = tpu.matmul %reshape3A_34, %get3A_37, %dot_general3A {dimension_numbers = #tpu.dot_dimension_numbers<[1], [0], [0], [1], [0, 0, 1, 1], [], []>, transpose_lhs_hint = false} : vector<1024x128xf32>, vector<128x2xf32>, vector<1024x2xf32> -> vector<1024x2xf32>
    %transpose3A = tpu.transpose %dot_general3A_38, [1, 0] : vector<1024x2xf32> -> vector<2x1024xf32>
    %reshape3A_39 = vector.shape_cast %transpose3A : vector<2x1024xf32> to vector<2x8x128xf32>
    %get3A_40 = arith.constant 0 : index
    %get3A_41 = arith.constant 0 : index
    %get3A_42 = arith.constant 0 : index
    %get3A_43 = vector.load %arg3[%get3A_40, %get3A_41, %get3A_42] : memref<2x8x128xf32, #tpu.memory_space<vmem>>, vector<1x8x128xf32>
    %get3A_44 = vector.shape_cast %get3A_43 : vector<1x8x128xf32> to vector<8x128xf32>
    %get3A_45 = arith.constant 1 : index
    %get3A_46 = arith.constant 0 : index
    %get3A_47 = arith.constant 0 : index
    %get3A_48 = vector.load %arg3[%get3A_45, %get3A_46, %get3A_47] : memref<2x8x128xf32, #tpu.memory_space<vmem>>, vector<1x8x128xf32>
    %get3A_49 = vector.shape_cast %get3A_48 : vector<1x8x128xf32> to vector<8x128xf32>
    %add3A_50 = arith.addf %get3A_44, %get3A_49 : vector<8x128xf32>
    %add3A_51 = arith.constant 1.000000e+00 : f32
    %add3A_52 = vector.broadcast %add3A_51 : f32 to vector<8x128xf32>
    %add3A_53 = arith.addf %add3A_50, %add3A_52 : vector<8x128xf32>
    %rsqrt3A_54 = math.rsqrt %add3A_53 : vector<8x128xf32>
    %broadcast_in_dim3A_55 = vector.shape_cast %rsqrt3A_54 : vector<8x128xf32> to vector<1x8x128xf32>
    %mul3A_56 = vector.broadcast %broadcast_in_dim3A_55 : vector<1x8x128xf32> to vector<2x8x128xf32>
    %mul3A_57 = arith.mulf %reshape3A_39, %mul3A_56 : vector<2x8x128xf32>
    %swap3A = arith.constant 0 : index
    %swap3A_58 = arith.constant 0 : index
    %swap3A_59 = arith.constant 0 : index
    %swap3A_60 = vector.load %arg6[%swap3A, %swap3A_58, %swap3A_59] : memref<2x8x128xf32, #tpu.memory_space<vmem>>, vector<2x8x128xf32>
    tpu.vector_store %arg6[%swap3A, %swap3A_58, %swap3A_59], %mul3A_57 {strides = array<i32>} : memref<2x8x128xf32, #tpu.memory_space<vmem>>, vector<2x8x128xf32>,
    return
  }
  func.func @transform_0(%arg0: i32) -> (i32, i32, i32) {
    %c0_i32 = arith.constant 0 : i32
    %c0_i32_0 = arith.constant 0 : i32
    %c0_i32_1 = arith.constant 0 : i32
    return %c0_i32, %arg0, %c0_i32_0 : i32, i32, i32
  }
  func.func @transform_1(%arg0: i32) -> (i32, i32) {
    %c0_i32 = arith.constant 0 : i32
    %c0_i32_0 = arith.constant 0 : i32
    return %arg0, %c0_i32 : i32, i32
  }
  func.func @transform_2(%arg0: i32) -> (i32, i32, i32) {
    %c0_i32 = arith.constant 0 : i32
    %c0_i32_0 = arith.constant 0 : i32
    %c0_i32_1 = arith.constant 0 : i32
    return %c0_i32, %arg0, %c0_i32_0 : i32, i32, i32
  }
  func.func @transform_3(%arg0: i32) -> (i32, i32) {
    %c0_i32 = arith.constant 0 : i32
    %c0_i32_0 = arith.constant 0 : i32
    %c0_i32_1 = arith.constant 0 : i32
    return %c0_i32, %c0_i32_0 : i32, i32
  }
  func.func @transform_4(%arg0: i32) -> (i32, i32) {
    %c0_i32 = arith.constant 0 : i32
    %c0_i32_0 = arith.constant 0 : i32
    %c0_i32_1 = arith.constant 0 : i32
    return %c0_i32, %c0_i32_0 : i32, i32
  }
  func.func @transform_5(%arg0: i32) -> (i32, i32, i32) {
    %c0_i32 = arith.constant 0 : i32
    %c0_i32_0 = arith.constant 0 : i32
    %c0_i32_1 = arith.constant 0 : i32
    return %c0_i32, %arg0, %c0_i32_0 : i32, i32, i32
  }
}

module attributes {stable_mosaic.version = 14 : i64} {
  func.func @_tc_head(%arg0: i32, %arg1: memref<2x2x8x128xf32, #tpu.memory_space<vmem>>, %arg2: memref<2x8x128xf32, #tpu.memory_space<vmem>>, %arg3: memref<2x8x128xf32, #tpu.memory_space<vmem>>, %arg4: memref<2x1xf32, #tpu.memory_space<vmem>>, %arg5: memref<2x1xf32, #tpu.memory_space<vmem>>, %arg6: memref<1x1xf32, #tpu.memory_space<vmem>>, %arg7: memref<8x128xf32, #tpu.memory_space<vmem>>) attributes {dimension_semantics = [#tpu.dimension_semantics<arbitrary>], iteration_bounds = array<i64: 10>, scalar_prefetch = 0 : i64, scratch_operands = 0 : i64, tpu.core_type = #tpu.core_type<tc>, window_params = [{transform_indices = @transform_0, window_bounds = array<i64: 2, 2, 8, 128>}, {transform_indices = @transform_1, window_bounds = array<i64: 2, 8, 128>}, {transform_indices = @transform_2, window_bounds = array<i64: 2, 8, 128>}, {pipeline_mode = #tpu.pipeline_mode<synchronous>, transform_indices = @transform_3, window_bounds = array<i64: 2, 1>}, {pipeline_mode = #tpu.pipeline_mode<synchronous>, transform_indices = @transform_4, window_bounds = array<i64: 2, 1>}, {pipeline_mode = #tpu.pipeline_mode<synchronous>, transform_indices = @transform_5, window_bounds = array<i64: 1, 1>}, {transform_indices = @transform_6, window_bounds = array<i64: 8, 128>}]} {
    %get3A = arith.constant 0 : index
    %get3A_0 = arith.constant 0 : index
    %get3A_1 = arith.constant 0 : index
    %get3A_2 = vector.load %arg3[%get3A, %get3A_0, %get3A_1] : memref<2x8x128xf32, #tpu.memory_space<vmem>>, vector<1x8x128xf32>
    %get3A_3 = vector.shape_cast %get3A_2 : vector<1x8x128xf32> to vector<8x128xf32>
    %get3A_4 = arith.constant 1 : index
    %get3A_5 = arith.constant 0 : index
    %get3A_6 = arith.constant 0 : index
    %get3A_7 = vector.load %arg3[%get3A_4, %get3A_5, %get3A_6] : memref<2x8x128xf32, #tpu.memory_space<vmem>>, vector<1x8x128xf32>
    %get3A_8 = vector.shape_cast %get3A_7 : vector<1x8x128xf32> to vector<8x128xf32>
    %add3A = arith.addf %get3A_3, %get3A_8 : vector<8x128xf32>
    %add3A_9 = arith.constant 1.000000e+00 : f32
    %add3A_10 = vector.broadcast %add3A_9 : f32 to vector<8x128xf32>
    %add3A_11 = arith.addf %add3A, %add3A_10 : vector<8x128xf32>
    %rsqrt3A = math.rsqrt %add3A_11 : vector<8x128xf32>
    %get3A_12 = arith.constant 0 : index
    %get3A_13 = arith.constant 0 : index
    %get3A_14 = arith.constant 0 : index
    %get3A_15 = arith.constant 0 : index
    %get3A_16 = vector.load %arg1[%get3A_12, %get3A_13, %get3A_14, %get3A_15] : memref<2x2x8x128xf32, #tpu.memory_space<vmem>>, vector<1x2x8x128xf32>
    %get3A_17 = vector.shape_cast %get3A_16 : vector<1x2x8x128xf32> to vector<2x8x128xf32>
    %get3A_18 = arith.constant 1 : index
    %get3A_19 = arith.constant 0 : index
    %get3A_20 = arith.constant 0 : index
    %get3A_21 = arith.constant 0 : index
    %get3A_22 = vector.load %arg1[%get3A_18, %get3A_19, %get3A_20, %get3A_21] : memref<2x2x8x128xf32, #tpu.memory_space<vmem>>, vector<1x2x8x128xf32>
    %get3A_23 = vector.shape_cast %get3A_22 : vector<1x2x8x128xf32> to vector<2x8x128xf32>
    %add3A_24 = arith.addf %get3A_17, %get3A_23 : vector<2x8x128xf32>
    %get3A_25 = arith.constant 0 : index
    %get3A_26 = arith.constant 0 : index
    %get3A_27 = arith.constant 0 : index
    %get3A_28 = vector.load %arg2[%get3A_25, %get3A_26, %get3A_27] : memref<2x8x128xf32, #tpu.memory_space<vmem>>, vector<2x8x128xf32>
    %add3A_29 = arith.addf %add3A_24, %get3A_28 : vector<2x8x128xf32>
    %broadcast_in_dim3A = vector.shape_cast %rsqrt3A : vector<8x128xf32> to vector<1x8x128xf32>
    %mul3A = vector.broadcast %broadcast_in_dim3A : vector<1x8x128xf32> to vector<2x8x128xf32>
    %mul3A_30 = arith.mulf %add3A_29, %mul3A : vector<2x8x128xf32>
    %get3A_31 = arith.constant 0 : index
    %get3A_32 = arith.constant 0 : index
    %get3A_33 = vector.load %arg4[%get3A_31, %get3A_32] : memref<2x1xf32, #tpu.memory_space<vmem>>, vector<2x1xf32>
    %broadcast_in_dim3A_34 = vector.shape_cast %get3A_33 : vector<2x1xf32> to vector<2x1x1xf32>
    %add3A_35 = vector.broadcast %broadcast_in_dim3A_34 : vector<2x1x1xf32> to vector<2x8x128xf32>
    %add3A_36 = arith.addf %mul3A_30, %add3A_35 : vector<2x8x128xf32>
    %tanh3A = math.tanh %add3A_36 : vector<2x8x128xf32>
    %slice3A = vector.extract_strided_slice %tanh3A {offsets = [0, 0, 0], sizes = [1, 8, 128], strides = [1, 1, 1]} : vector<2x8x128xf32> to vector<1x8x128xf32>
    %squeeze3A = vector.shape_cast %slice3A : vector<1x8x128xf32> to vector<8x128xf32>
    %get3A_37 = arith.constant 0 : index
    %get3A_38 = arith.constant 0 : index
    %get3A_39 = vector.load %arg5[%get3A_37, %get3A_38] : memref<2x1xf32, #tpu.memory_space<vmem>>, vector<1x1xf32>
    %get3A_40 = vector.extract %get3A_39[0, 0] : f32 from vector<1x1xf32>
    %mul3A_41 = vector.broadcast %get3A_40 : f32 to vector<8x128xf32>
    %mul3A_42 = arith.mulf %squeeze3A, %mul3A_41 : vector<8x128xf32>
    %slice3A_43 = vector.extract_strided_slice %tanh3A {offsets = [1, 0, 0], sizes = [1, 8, 128], strides = [1, 1, 1]} : vector<2x8x128xf32> to vector<1x8x128xf32>
    %squeeze3A_44 = vector.shape_cast %slice3A_43 : vector<1x8x128xf32> to vector<8x128xf32>
    %get3A_45 = arith.constant 1 : index
    %get3A_46 = arith.constant 0 : index
    %get3A_47 = vector.load %arg5[%get3A_45, %get3A_46] : memref<2x1xf32, #tpu.memory_space<vmem>>, vector<1x1xf32>
    %get3A_48 = vector.extract %get3A_47[0, 0] : f32 from vector<1x1xf32>
    %mul3A_49 = vector.broadcast %get3A_48 : f32 to vector<8x128xf32>
    %mul3A_50 = arith.mulf %squeeze3A_44, %mul3A_49 : vector<8x128xf32>
    %add3A_51 = arith.addf %mul3A_42, %mul3A_50 : vector<8x128xf32>
    %get3A_52 = arith.constant 0 : index
    %get3A_53 = arith.constant 0 : index
    %get3A_54 = vector.load %arg6[%get3A_52, %get3A_53] : memref<1x1xf32, #tpu.memory_space<vmem>>, vector<1x1xf32>
    %get3A_55 = vector.extract %get3A_54[0, 0] : f32 from vector<1x1xf32>
    %add3A_56 = vector.broadcast %get3A_55 : f32 to vector<8x128xf32>
    %add3A_57 = arith.addf %add3A_51, %add3A_56 : vector<8x128xf32>
    %logistic3A = arith.negf %add3A_57 : vector<8x128xf32>
    %logistic3A_58 = math.exp %logistic3A : vector<8x128xf32>
    %logistic3A_59 = arith.constant 1.000000e+00 : f32
    %logistic3A_60 = vector.broadcast %logistic3A_59 : f32 to vector<8x128xf32>
    %logistic3A_61 = arith.addf %logistic3A_60, %logistic3A_58 : vector<8x128xf32>
    %logistic3A_62 = arith.divf %logistic3A_60, %logistic3A_61 : vector<8x128xf32>
    %swap3A = arith.constant 0 : index
    %swap3A_63 = arith.constant 0 : index
    %swap3A_64 = vector.load %arg7[%swap3A, %swap3A_63] : memref<8x128xf32, #tpu.memory_space<vmem>>, vector<8x128xf32>
    tpu.vector_store %arg7[%swap3A, %swap3A_63], %logistic3A_62 {strides = array<i32>} : memref<8x128xf32, #tpu.memory_space<vmem>>, vector<8x128xf32>,
    return
  }
  func.func @transform_0(%arg0: i32) -> (i32, i32, i32, i32) {
    %c0_i32 = arith.constant 0 : i32
    %c0_i32_0 = arith.constant 0 : i32
    %c0_i32_1 = arith.constant 0 : i32
    %c0_i32_2 = arith.constant 0 : i32
    return %c0_i32, %c0_i32_0, %arg0, %c0_i32_1 : i32, i32, i32, i32
  }
  func.func @transform_1(%arg0: i32) -> (i32, i32, i32) {
    %c0_i32 = arith.constant 0 : i32
    %c0_i32_0 = arith.constant 0 : i32
    %c0_i32_1 = arith.constant 0 : i32
    return %c0_i32, %arg0, %c0_i32_0 : i32, i32, i32
  }
  func.func @transform_2(%arg0: i32) -> (i32, i32, i32) {
    %c0_i32 = arith.constant 0 : i32
    %c0_i32_0 = arith.constant 0 : i32
    %c0_i32_1 = arith.constant 0 : i32
    return %c0_i32, %arg0, %c0_i32_0 : i32, i32, i32
  }
  func.func @transform_3(%arg0: i32) -> (i32, i32) {
    %c0_i32 = arith.constant 0 : i32
    %c0_i32_0 = arith.constant 0 : i32
    %c0_i32_1 = arith.constant 0 : i32
    return %c0_i32, %c0_i32_0 : i32, i32
  }
  func.func @transform_4(%arg0: i32) -> (i32, i32) {
    %c0_i32 = arith.constant 0 : i32
    %c0_i32_0 = arith.constant 0 : i32
    %c0_i32_1 = arith.constant 0 : i32
    return %c0_i32, %c0_i32_0 : i32, i32
  }
  func.func @transform_5(%arg0: i32) -> (i32, i32) {
    %c0_i32 = arith.constant 0 : i32
    %c0_i32_0 = arith.constant 0 : i32
    %c0_i32_1 = arith.constant 0 : i32
    return %c0_i32, %c0_i32_0 : i32, i32
  }
  func.func @transform_6(%arg0: i32) -> (i32, i32) {
    %c0_i32 = arith.constant 0 : i32
    %c0_i32_0 = arith.constant 0 : i32
    return %arg0, %c0_i32 : i32, i32
  }
}

</mosaic_0001>

<sc_bundles>
// kernel: kernel.11.cloned.1.call-start
scs
__scs_entry_jumppad:
0x0: {  	(pc) =	sbr.rel $0x88, $3  }
0x1: {  	(tag) =	ssettag $0x0;
	lr =	simm.s32 $0x1  }
0x2: {  	[smem:$0x3F99] =	sst lr;
	_ =	strace $0xD0000000  }
0x3: {  	_ = 	snop  }
0x4: {  	_ = 	snop  }
0x5: {  	_ = 	snop  }
0x6: {  	_ = 	snop  }
0x7: {  	_ = 	snop  }
__scs_overlays_trampoline_lowered:
0x8: {  	[smem:$0x3FA8] =	sst s0  }
0x9: {  	[smem:$0x3FA9] =	sst s1  }
0xa: {  	[smem:$0x3FAA] =	sst s2  }
0xb: {  	[smem:$0x3FAB] =	sst s3  }
0xc: {  	[smem:$0x3FAC] =	sst s4  }
0xd: {  	[smem:$0x3FAD] =	sst s5  }
0xe: {  	[smem:$0x3FAE] =	sst s6  }
0xf: {  	[smem:$0x3FAF] =	sst s7  }
0x10: {  	[smem:$0x3FB0] =	sst s8  }
0x11: {  	[smem:$0x3FB1] =	sst s9;
	s0 =	simm.s32 @!p0 $0x0  }
0x12: {  	s1 =	sld [smem:$0x3F97];
	s0 =	simm.s32 @p0 $0x1  }
0x13: {  	[smem:$0x3FB2] =	sst s0;
	s0 =	simm.s32 @!p1 $0x0  }
0x14: {  	s2 =	sld [smem:$0x3F96];
	s0 =	simm.s32 @p1 $0x1  }
0x15: {  	[smem:$0x3FB3] =	sst s0;
	s0 =	simm.s32 @!p2 $0x0  }
0x16: {  	s3 =	sld [smem:$0x3FDB];
	s0 =	simm.s32 @p2 $0x1  }
0x17: {  	s4 =	simm.s32 $0x1BF5;
	[smem:$0x3FB5] =	sst s0  }
0x18: {  	s0 =	sld [smem:$0x3F98];
	_ =	swait.ge [sflag:s4], $0x0  }
0x19: {  	s7 =	sld [smem:$0x3F99]  }
0x1a: {  	s8 =	sadd.s32 $0xFFFFE003, lr  }
0x1b: {  	s9 =	sadd.s32 $0xFFFFFEF7, lr;
	s5 =	simm.s32 $0xFFFFFFFF;
	p2 =	slt.u32 s8, $0xFFFFF086  }
0x1c: {  	p1 =	slt.u32 s9, $0xF7A;
	s5 =	simm.s32 @!p2 $0x0  }
0x1d: {  	s5 =	simm.s32 @p1 $0x1;
	p0 =	seq.s32 s7, s2  }
0x1e: {  	s7 =	smul.u32 @!p0 $0xF7A, s2;
	p2 =	seq.s32 @!p0 s5, $0x0  }
0x1f: {  	s9 =	smul.u32 $0xF7A, s1;
	s8 =	simm.s32 @!p0 $0x1BF5;
	p2 =	por !p2, p0  }
0x20: {  	[sflag:s8] =	ssyncset.s32 @!p0 $0xFFFFF086;
	s6 =	sadd.s32 @!p0 s3, s7;
	s7 =	simm.s32 @!p0 $0x108  }
0x21: {  	s3 =	sadd.s32 s3, s9;
	s6 =	sadd.s32 @!p0 $0x88, s6;
	s7 =	simm.s32 @p2 $0x1082  }
0x22: {  	[simem:s7], [sflag:s8] =	dma.local @!p0 [hbm:s6], $0xF7A  }
0x23: {  	s9 =	sor.u32 $0xD0000000, s2;
	s6 =	simm.s32 $0x108;
	_ =	swait.ge @!p0 [sflag:s8], $0x0  }
0x24: {  	s3 =	sadd.s32 $0x88, s3;
	s6 =	simm.s32 @!p1 $0x1082;
	[sflag:s4] =	ssyncset.s32 $0xFFFFF086  }
0x25: {  	[simem:s6], [sflag:s4] =	dma.local [hbm:s3], $0xF7A  }
0x26: {  	[smem:$0x3F99] =	sst s1;
	(tag) =	ssettag s2;
	_ =	strace s9  }
0x27: {  	s1 =	sld [smem:$0x3FA9]  }
0x28: {  	s2 =	sld [smem:$0x3FAA]  }
0x29: {  	s4 =	sld [smem:$0x3FAC]  }
0x2a: {  	p0 =	seq.s32 s5, $0x0;
	s5 =	sld [smem:$0x3FAD]  }
0x2b: {  	s6 =	sld [smem:$0x3FAE]  }
0x2c: {  	s7 =	sld [smem:$0x3FAF]  }
0x2d: {  	s3 =	simm.s32 $0x108;
	s8 =	sld [smem:$0x3FB0]  }
0x2e: {  	s3 =	simm.s32 @!p0 $0x1082;
	s9 =	sld [smem:$0x3FB1]  }
0x2f: {  	lr =	sadd.s32 s0, s3;
	s0 =	sld [smem:$0x3FA8]  }
0x30: {  	s3 =	sld [smem:$0x3FAB]  }
0x31: {  	[smem:$0x3FB4] =	sst s10  }
0x32: {  	s10 =	sld [smem:$0x3FB2];
	_ =	sdelay $0x3  }
0x33: {  	p0 =	seq.s32 s10, $0x1;
	s10 =	sld [smem:$0x3FB4];
	_ =	sdelay $0x3  }
0x34: {  	[smem:$0x3FB4] =	sst s10  }
0x35: {  	s10 =	sld [smem:$0x3FB3];
	_ =	sdelay $0x3  }
0x36: {  	p1 =	seq.s32 s10, $0x1;
	s10 =	sld [smem:$0x3FB4];
	_ =	sdelay $0x3  }
0x37: {  	[smem:$0x3FB4] =	sst s10  }
0x38: {  	s10 =	sld [smem:$0x3FB5]  }
0x39: {  	_ = 	snop;
	(pc) =	sbr.ind lr, $3  }
0x3a: {  	_ = 	snop  }
0x3b: {  	_ = 	snop  }
0x3c: {  	p2 =	seq.s32 s10, $0x1;
	s10 =	sld [smem:$0x3FB4]  }
0x3d: {  	_ =	shalt  }
0x3e: {  	_ =	shalt  }
0x3f: {  	_ =	shalt  }
0x40: {  	_ =	shalt  }
0x41: {  	_ =	shalt  }
0x42: {  	_ =	shalt  }
0x43: {  	_ =	shalt  }
0x44: {  	_ =	shalt  }
0x45: {  	_ =	shalt  }
0x46: {  	_ =	shalt  }
0x47: {  	_ =	shalt  }
0x48: {  	_ =	shalt  }
0x49: {  	_ =	shalt  }
0x4a: {  	_ =	shalt  }
0x4b: {  	_ =	shalt  }
0x4c: {  	_ =	shalt  }
0x4d: {  	_ =	shalt  }
0x4e: {  	_ =	shalt  }
0x4f: {  	_ =	shalt  }
0x50: {  	_ =	shalt  }
0x51: {  	_ =	shalt  }
0x52: {  	_ =	shalt  }
0x53: {  	_ =	shalt  }
0x54: {  	_ =	shalt  }
0x55: {  	_ =	shalt  }
0x56: {  	_ =	shalt  }
0x57: {  	_ =	shalt  }
0x58: {  	_ =	shalt  }
0x59: {  	_ =	shalt  }
0x5a: {  	_ =	shalt  }
0x5b: {  	_ =	shalt  }
0x5c: {  	_ =	shalt  }
0x5d: {  	_ =	shalt  }
0x5e: {  	_ =	shalt  }
0x5f: {  	_ =	shalt  }
0x60: {  	_ =	shalt  }
0x61: {  	_ =	shalt  }
0x62: {  	_ =	shalt  }
0x63: {  	_ =	shalt  }
0x64: {  	_ =	shalt  }
0x65: {  	_ =	shalt  }
0x66: {  	_ =	shalt  }
0x67: {  	_ =	shalt  }
0x68: {  	_ =	shalt  }
0x69: {  	_ =	shalt  }
0x6a: {  	_ =	shalt  }
0x6b: {  	_ =	shalt  }
0x6c: {  	_ =	shalt  }
0x6d: {  	_ =	shalt  }
0x6e: {  	_ =	shalt  }
0x6f: {  	_ =	shalt  }
0x70: {  	_ =	shalt  }
0x71: {  	_ =	shalt  }
0x72: {  	_ =	shalt  }
0x73: {  	_ =	shalt  }
0x74: {  	_ =	shalt  }
0x75: {  	_ =	shalt  }
0x76: {  	_ =	shalt  }
0x77: {  	_ =	shalt  }
0x78: {  	_ =	shalt  }
0x79: {  	_ =	shalt  }
0x7a: {  	_ =	shalt  }
0x7b: {  	_ =	shalt  }
0x7c: {  	_ =	shalt  }
0x7d: {  	_ =	shalt  }
0x7e: {  	_ =	shalt  }
0x7f: {  	_ =	shalt  }
0x80: {  	_ =	shalt  }
0x81: {  	_ =	shalt  }
0x82: {  	_ =	shalt  }
0x83: {  	_ =	shalt  }
0x84: {  	_ =	shalt  }
0x85: {  	_ =	shalt  }
0x86: {  	_ =	shalt  }
0x87: {  	_ =	shalt  }
.Lfunc_end0:
.L_simem_size_0:
called_computation.1_lowered:
.L_overlay_start_0:
0x88: {  	s2 =	sld [smem:$0x3FD9]  }
0x89: {  	s3 =	sld [smem:$0x3FFE];
	_ =	sdelay $0x1  }
0x8a: {  	s1 =	srdreg.scid  }
0x8b: {  	s0 =	sand.u32 $0x1, s1  }
0x8c: {  	s16 =	sshll.u32 s0, $0xA;
	s2 =	sadd.s32 s3, s2  }
0x8d: {  	s2 =	sadd.s32 s2, s16  }
0x8e: {  	[smem:$0x3FC0] =	sst s2  }
0x8f: {  	_ = 	snop  }
0x90: {  	(tm) =	ssettm $0x1  }
0x91: {  	s17 =	sld [smem:$0x3FFB];
	_ =	sdelay $0x3  }
0x92: {  	_ =	strace s17  }
0x93: {  	s2 =	sld [smem:$0x3FFC];
	_ =	sdelay $0x3  }
0x94: {  	_ =	strace s2  }
0x95: {  	s2 =	sld [smem:$0x3FFD];
	_ =	sdelay $0x3  }
0x96: {  	_ =	strace s2  }
0x97: {  	_ =	strace $0x8FFFFFFF  }
0x98: {  	s18 =	sld [smem:$0x3FDB];
	_ =	sdelay $0x1  }
0x99: {  	s19 =	simm.s32 $_scs_section_size  }
0x9a: {  	s4 =	simm.s32 $_size__tile_overlayer_lowered;
	s5 =	simm.s32 $_tile_overlayer_lowered  }
0x9b: {  	s22 =	simm.s32 $0x1BFF;
	s21 =	sshll.u32 s5, $0x1;
	s2 =	sadd.s32 s19, s18  }
0x9c: {  	s6 =	simm.s32 $0x0;
	s20 =	sshll.u32 s4, $0x1;
	s4 =	sadd.s32 s21, s2  }
0x9d: {  	[timem:s6], [sflag:s22] =	dma.local [hbm:s4], s20  }
0x9e: {  	_ =	swait.ge [sflag:s22], s20  }
0x9f: {  	s3 =	ssub.s32 $0x0, s20;
	[sflag:s22] =	ssyncset.done $0x0  }
0xa0: {  	[sflag:s22] =	ssyncadd.s32 s3;
	_ =	sdelay $0x1  }
0xa1: {  	s23 =	simm.s32 $0x1B8B  }
0xa2: {  	_ =	swait.ge [sflag:s23], $0x1  }
0xa3: {  	[sflag:s23] =	ssyncset.done $0x0  }
0xa4: {  	s25 =	simm.s32 $0x1B8E;
	s24 =	sld [smem:$0x3FFE];
	[sflag:s23] =	ssyncadd.s32 $0xFFFFFFFF  }
0xa5: {  	s26 =	simm.s32 $execute0_lowered;
	[smem:$0x3FD2] =	sst s25  }
0xa6: {  	s4 =	sshll.u32 s26, $0x1;
	_ =	strace $0x80000049;
	[dreg:$0x1] =	wrdreg $0xFFFFFFFF  }
0xa7: {  	s28 =	simm.s32 $_size_execute0_lowered;
	s2 =	sadd.s32 s2, s4;
	[dreg:$0x0] =	wrdreg $0x0  }
0xa8: {  	s4 =	sshll.u32 s28, $0x1;
	[dreg:$0x2] =	wrdreg s2  }
0xa9: {  	[dreg:$0x3] =	wrdreg s4  }
0xaa: {  	[dreg:$0x4] =	wrdreg $0xC0  }
0xab: {  	_ =	task [dreg:s6], $0x5FFFF  }
0xac: {  	[dreg:$0x1] =	wrdreg $0xFFFFFFFF  }
0xad: {  	[dreg:$0x0] =	wrdreg $0x60  }
0xae: {  	[dreg:$0x2] =	wrdreg s24  }
0xaf: {  	[dreg:$0x3] =	wrdreg $0xA1800  }
0xb0: {  	[dreg:$0x4] =	wrdreg $0x9  }
0xb1: {  	_ =	task.clear_ibuf [dreg:s6], $0x5FFFF;
	_ =	strace $0x90000049  }
0xb2: {  	s29 =	simm.s32 $0x9;
	_ =	strace $0x8000004B  }
0xb3: {  	_ =	swait.ge [sflag:s29], $0x1  }
0xb4: {  	[sflag:s29] =	ssyncadd.s32 $0xFFFFFFFF  }
0xb5: {  	_ =	strace $0x9000004B  }
0xb6: {  	_ =	sfence  }
0xb7: {  	s30 =	sld [smem:$0x0];
	_ =	sdelay $0x2  }
0xb8: {  	s31 =	sshll.u32 s1, $0xD;
	s1 =	sshrl.u32 s1, $0x2  }
0xb9: {  	s3 =	sand.u32 $0x4000, s31;
	s1 =	sadd.s32 s1, s30  }
0xba: {  	s0 =	sor.u32 s3, s0;
	s1 =	sshll.u32 s1, $0x11  }
0xbb: {  	s0 =	sor.u32 s1, s0  }
0xbc: {  	s0 =	sadd.s32 $0x8F2B, s0  }
0xbd: {  	[sflag:s0] =	ssyncadd.remote.s32 $0x1  }
0xbe: {  	_ =	sfence.sel $0xFFFF  }
0xbf: {  	[dreg:$0x0] =	wrdreg $0xFFFFFFFF;
	(pc) =	sbr.abs _section_cstart, $3  }
0xc0: {  	[dreg:$0x1] =	wrdreg $0xFFFFFFFF  }
0xc1: {  	_ =	task.clear_ibuf [dreg:s6], $0x2FFFF;
	_ =	strace $0x9FFFFFFF  }
0xc2: {  	(tm) =	ssettm $0x7FFFFFFF  }
0xc3: {  	_ =	shalt  }
tec
execute0_lowered:
.L_overlay_start_1:
0x0: {  	(tag) =	ssettag $0x1  }
0x1: {  	s0 =	srdreg.scid;
	s5 =	rddreg [dreg:$0x0]  }
0x2: {  	s11 =	stileid.u32;
	s2 =	rddreg [dreg:$0x1];
	s3 =	simm.s32 $0x0  }
0x3: {  	s19 =	simm.s32 $0xA;
	s20 =	simm.s32 $0x2980;
	s22 =	simm.s32 $0x50  }
0x4: {  	s24 =	simm.s32 $0x5180;
	s25 =	simm.s32 $0x5;
	s7 =	smul.u32 $0x14000, s11  }
0x5: {  	s26 =	simm.s32 $0x0;
	s0 =	sand.u32 $0x1, s0;
	s9 =	smul.u32 $0x50000, s11  }
0x6: {  	[smem:$0x7FF] =	sst s3;
	s4 =	sadd.s32 $0x16000, s5;
	s14 =	smul.u32 $0x2710, s11  }
0x7: {  	s18 =	sadd.s32 $0xC200, s5;
	s1 =	sshll.u32 s0, $0x4;
	s6 =	smul.u32 $0x140000, s0  }
0x8: {  	_ =	strace $0x8000004A;
	s30 =	ssub.s32 $0x2, s0;
	s0 =	smul.u32 $0x27100, s0  }
0x9: {  	s1 =	sor.u32 s11, s1;
	s10 =	sshrl.u32 s30, $0x1;
	s31 =	sshrl.u32 s9, $0x2  }
0xa: {  	s1 =	smul.u32 $0x2710, s1;
	s6 =	sadd.s32 s7, s6;
	s0 =	sadd.s32 s14, s0  }
0xb: {  	s17 =	ssub.s32 s30, s10;
	s6 =	sshrl.u32 s6, $0x3;
	s0 =	sadd.s32 $0xA0, s0  }
0xc: {  	s17 =	smax.u32 s17, $0x1;
	s1 =	sshrl.u32 s1, $0x3;
	s16 =	sadd.s32 s6, s5  }
0xd: {  	s6 =	sadd.s32 s31, s2;
	s0 =	sshrl.u32 s0, $0x3;
	s8 =	sadd.s32 s1, s5  }
0xe: {  	s7 =	sadd.s32 $0x2800, s6;
	s9 =	sadd.s32 $0x7800, s6;
	s10 =	sadd.s32 $0xA000, s6  }
0xf: {  	s11 =	sadd.s32 $0xC800, s6;
	s12 =	sadd.s32 $0xF000, s6;
	s13 =	sadd.s32 s18, s1  }
0x10: {  	s14 =	sadd.s32 $0x11800, s6;
	s16 =	sadd.s32 $0x3E000, s16;
	s18 =	sadd.s32 s0, s18  }
0x11: {  	v0 =	vimm.f32 $0.0e+00;
	s5 =	sadd.s32 $0x2400, s8;
	s8 =	sadd.s32 $0x5000, s6;
	s15 =	sadd.s32 $0xA, s13  }
.LBB2_1:
0x12: {  	[tilespmem:s3], [sflag:$0xA] =	stream.linear.gather [hbm4b:s5+s3], $0x2710, $0x38;
	[tilespmem:$0x1E180] =	vst v63  }
0x13: {  	s0 =	sand.u32 $0xFE00, s3;
	s1 =	sand.u32 $0x70, s3;
	_ =	swait.ge [sflag:s19], $0x2710  }
0x14: {  	s29 =	simm.s32 $0x40;
	s0 =	sshrl.u32 s0, $0x2;
	[sflag:s19] =	ssyncset.done $0x0  }
0x15: {  	s31 =	sor.u32 s1, s0;
	s1 =	simm.s32 $0x0;
	[sflag:s19] =	ssyncadd.s32 $0xFFFFD8F0  }
.LBB2_2:
0x16: {  	p0 =	sne.s32 s29, $0x9FC0  }
0x17: {  	[tilespmem:s31+$0x2980] =	vst v0;
	s1 =	sadd.s32 $0x10, s1;
	s0 =	smov.u32 s29;
	s29 =	sadd.s32 $0x40, s29  }
.Ltmp0:
0x18: {  	(pc) =	sbr.rel @p0 .LBB2_2-.Ltmp0, $4  }
0x19: {  	_ = 	snop  }
0x1a: {  	s0 =	sand.u32 $0xFE00, s0  }
0x1b: {  	s28 =	sand.u32 $0x70, s1;
	s0 =	sshrl.u32 s0, $0x2  }
0x1c: {  	s31 =	sor.u32 s28, s0;
	s28 =	simm.s32 $0x0  }
0x1d: {  	s0 =	sand.u32 $0xFE00, s28  }
0x1e: {  	s29 =	sand.u32 $0x70, s28;
	s30 =	sshrl.u32 s0, $0x2  }
0x1f: {  	[tilespmem:s31+$0x2980] =	vst v0;
	s31 =	simm.s32 $0x40;
	s1 =	simm.s32 $0x0;
	s0 =	sor.u32 s29, s30  }
.LBB2_4:
0x20: {  	p0 =	sne.s32 s31, $0x9FC0  }
0x21: {  	[tilespmem:s0+$0x5180] =	vst v0;
	s1 =	sadd.s32 $0x10, s1;
	s0 =	smov.u32 s31;
	s31 =	sadd.s32 $0x40, s31  }
.Ltmp1:
0x22: {  	(pc) =	sbr.rel @p0 .LBB2_4-.Ltmp1, $4  }
0x23: {  	_ = 	snop  }
0x24: {  	s0 =	sand.u32 $0xFE00, s0  }
0x25: {  	s21 =	sand.u32 $0x70, s1;
	s0 =	sshrl.u32 s0, $0x2  }
0x26: {  	s0 =	sor.u32 s21, s0  }
0x27: {  	[tilespmem:s0+$0x5180] =	vst v0;
	s1 =	simm.s32 $0x40;
	s0 =	sor.u32 s29, s30  }
.LBB2_6:
0x28: {  	p0 =	sne.s32 s1, $0x9FC0  }
0x29: {  	[tilespmem:s0+$0x7980] =	vst v0;
	s28 =	sadd.s32 $0x10, s28;
	s0 =	smov.u32 s1;
	s1 =	sadd.s32 $0x40, s1  }
.Ltmp2:
0x2a: {  	(pc) =	sbr.rel @p0 .LBB2_6-.Ltmp2, $4  }
0x2b: {  	_ = 	snop  }
0x2c: {  	s0 =	sand.u32 $0xFE00, s0  }
0x2d: {  	s21 =	sand.u32 $0x70, s28;
	s0 =	sshrl.u32 s0, $0x2  }
0x2e: {  	s0 =	sor.u32 s21, s0  }
0x2f: {  	[tilespmem:s0+$0x7980] =	vst v0  }
0x30: {  	[spmem:s6] =	stream.linear.scatter [tilespmem:s20], [sflag:$0xA], $0x2800, $0x38;
	[tilespmem:$0x1E180] =	vst v63  }
0x31: {  	_ =	swait.ge [sflag:s19], $0x2800  }
0x32: {  	[sflag:s19] =	ssyncset.done $0x0  }
0x33: {  	[sflag:s19] =	ssyncadd.s32 $0xFFFFD800  }
0x34: {  	[spmem:s7] =	stream.linear.scatter [tilespmem:s20], [sflag:$0xA], $0x2800, $0x38;
	[tilespmem:$0x1E180] =	vst v63  }
0x35: {  	_ =	swait.ge [sflag:s19], $0x2800  }
0x36: {  	[sflag:s19] =	ssyncset.done $0x0  }
0x37: {  	[sflag:s19] =	ssyncadd.s32 $0xFFFFD800  }
0x38: {  	[spmem:s8] =	stream.linear.scatter [tilespmem:s20], [sflag:$0xA], $0x2800, $0x38;
	[tilespmem:$0x1E180] =	vst v63  }
0x39: {  	_ =	swait.ge [sflag:s19], $0x2800  }
0x3a: {  	[sflag:s19] =	ssyncset.done $0x0  }
0x3b: {  	[sflag:s19] =	ssyncadd.s32 $0xFFFFD800  }
0x3c: {  	[spmem:s9] =	stream.linear.scatter [tilespmem:s20], [sflag:$0xA], $0x2800, $0x38;
	[tilespmem:$0x1E180] =	vst v63  }
0x3d: {  	_ =	swait.ge [sflag:s19], $0x2800  }
0x3e: {  	[sflag:s19] =	ssyncset.done $0x0  }
0x3f: {  	[sflag:s19] =	ssyncadd.s32 $0xFFFFD800  }
0x40: {  	[spmem:s10] =	stream.linear.scatter [tilespmem:s20], [sflag:$0xA], $0x2800, $0x38;
	[tilespmem:$0x1E180] =	vst v63  }
0x41: {  	_ =	swait.ge [sflag:s19], $0x2800  }
0x42: {  	[sflag:s19] =	ssyncset.done $0x0  }
0x43: {  	[sflag:s19] =	ssyncadd.s32 $0xFFFFD800  }
0x44: {  	[spmem:s11] =	stream.linear.scatter [tilespmem:s20], [sflag:$0xA], $0x2800, $0x38;
	[tilespmem:$0x1E180] =	vst v63  }
0x45: {  	_ =	swait.ge [sflag:s19], $0x2800  }
0x46: {  	[sflag:s19] =	ssyncset.done $0x0  }
0x47: {  	[sflag:s19] =	ssyncadd.s32 $0xFFFFD800  }
0x48: {  	[spmem:s12] =	stream.linear.scatter [tilespmem:s20], [sflag:$0xA], $0x2800, $0x38;
	[tilespmem:$0x1E180] =	vst v63  }
0x49: {  	_ =	swait.ge [sflag:s19], $0x2800  }
0x4a: {  	[sflag:s19] =	ssyncset.done $0x0  }
0x4b: {  	[sflag:s19] =	ssyncadd.s32 $0xFFFFD800  }
0x4c: {  	[spmem:s14] =	stream.linear.scatter [tilespmem:s20], [sflag:$0xA], $0x2800, $0x38;
	[tilespmem:$0x1E180] =	vst v63  }
0x4d: {  	_ =	swait.ge [sflag:s19], $0x2800  }
0x4e: {  	[sflag:s19] =	ssyncset.done $0x0  }
0x4f: {  	[sflag:s19] =	ssyncadd.s32 $0xFFFFD800  }
0x50: {  	s28 =	simm.s32 $0x0;
	s23 =	simm.s32 $0x2780;
	[bflag:$0x0] =	sbarrier.arrive $0xFFFF  }
0x51: {  	[tilespmem:s23], [sflag:$0x7] =	stream.linear.gather [hbm4b:s13+s28], $0x50, $0x38;
	[tilespmem:$0x1E180] =	vst v63  }
0x52: {  	_ = 	snop  }
0x53: {  	[tilespmem:s20], [sflag:$0x1] =	stream.indirect.gather [hbm4b:s4+s22], $0x80, s28, s22, $0xb8;
	[tilespmem:$0x1E180] =	vst v63  }
0x54: {  	s31 =	simm.s32 $0x2800  }
0x55: {  	[tilespmem:s31], [sflag:$0x8] =	stream.linear.gather [hbm4b:s15+s28], $0x50, $0x38;
	[tilespmem:$0x1E180] =	vst v63  }
0x56: {  	s29 =	simm.s32 $0xA0;
	s30 =	smov.u32 s18  }
0x57: {  	[tilespmem:s24], [sflag:$0x2] =	stream.indirect.gather [hbm4b:s4+s22], $0x80, s22, s22, $0xb8;
	[tilespmem:$0x1E180] =	vst v63  }
.LBB2_8:
0x58: {  	s0 =	smul.u32 $0xAB, s28;
	_ =	sdelay $0x1  }
0x59: {  	s1 =	sshrl.u32 s0, $0x9  }
0x5a: {  	s0 =	sadd.s32 $0x156, s0;
	s1 =	sand.u32 $0x7F, s1  }
0x5b: {  	s0 =	sshrl.u32 s0, $0x9;
	s1 =	smul.u32 $0x3, s1  }
0x5c: {  	s0 =	sand.u32 $0x7F, s0  }
0x5d: {  	s0 =	smul.u32 $0x3, s0;
	s1 =	ssub.s32 s28, s1  }
0x5e: {  	s31 =	sand.u32 $0xFF, s1  }
0x5f: {  	s0 =	ssub.s32 s28, s0;
	s21 =	sadd.s32 $0x1, s31  }
0x60: {  	s0 =	sadd.s32 $0x2, s0;
	_ =	swait.ge [sflag:s21], $0x2800  }
0x61: {  	p0 =	seq.s32 s28, $0x0;
	s1 =	sand.u32 $0xFF, s0;
	[sflag:s21] =	ssyncset.done $0x0  }
0x62: {  	s0 =	sadd.s32 @!p0 $0x4, s1;
	[sflag:s21] =	ssyncadd.s32 $0xFFFFD800  }
0x63: {  	p1 =	sgt.u32 @!p0 s28, $0x7A;
	_ =	swait.ge @!p0 [sflag:s0], $0x2800  }
0x64: {  	p1 =	por p0, !p1;
	[sflag:s0] =	ssyncset.done @!p0 $0x0  }
0x65: {  	[sflag:s0] =	ssyncadd.s32 @!p0 $0xFFFFD800;
	s0 =	sshll.u32 @p1 s1, $0x7  }
0x66: {  	s23 =	smul.u32 @p1 $0xA000, s1;
	s21 =	sadd.s32 @p1 $0x7, s1;
	s0 =	sadd.s32 @p1 $0x2780, s0  }
0x67: {  	[tilespmem:s0], [sflag:s21] =	stream.linear.gather @p1 [hbm4b:s30+s3], $0x50, $0x38;
	[tilespmem:$0x1E180] =	vst v63  }
0x68: {  	s0 =	sshrl.u32 @p1 s23, $0x2  }
0x69: {  	s28 =	sadd.s32 $0x1, s28;
	s1 =	sadd.s32 @p1 $0x1, s1;
	s0 =	sadd.s32 @p1 $0x2980, s0  }
0x6a: {  	[tilespmem:s0], [sflag:s1] =	stream.indirect.gather @p1 [hbm4b:s4+s22], $0x80, s29, s22, $0xb8;
	[tilespmem:$0x1E180] =	vst v63  }
0x6b: {  	p0 =	sne.s32 s28, $0x7D;
	s1 =	smul.u32 $0xA000, s31  }
.Ltmp3:
0x6c: {  	s23 =	sshll.u32 s31, $0x7;
	s0 =	sadd.s32 $0x7, s31;
	(pc) =	sbr.rel @p0 .LBB2_8-.Ltmp3, $4  }
0x6d: {  	s30 =	sadd.s32 $0xA, s30;
	s21 =	sadd.s32 $0x2780, s23;
	_ =	swait.ge [sflag:s0], $0x50  }
0x6e: {  	s31 =	sadd.s32 $0x4, s31;
	[sflag:s0] =	ssyncset.done $0x0;
	s1 =	sshrl.u32 s1, $0x2  }
0x6f: {  	s29 =	sadd.s32 $0x50, s29;
	[sflag:s0] =	ssyncadd.s32 $0xFFFFFFB0;
	s23 =	sadd.s32 $0x2980, s1  }
0x70: {  	[spmem:s2] =	stream.indirect.scatter.add.f32 [tilespmem:s23], [sflag:s31], $0x80, s21, s22, $0xb8;
	[tilespmem:$0x1E180] =	vst v63  }
0x71: {  	_ =	swait.ge [sflag:s25], $0x2800;
	s0 =	stileid.u32  }
0x72: {  	s1 =	sshrl.u32 s6, $0x3;
	s26 =	sadd.s32 $0x1, s26;
	[sflag:s25] =	ssyncset.done $0x0  }
0x73: {  	s0 =	sshll.u32 s0, $0x6;
	p0 =	sne.s32 s26, s17;
	[sflag:s25] =	ssyncadd.s32 $0xFFFFD800  }
.Ltmp4:
0x74: {  	s0 =	sor.u32 $0x1C0A, s0;
	[bflag:$0x0] =	sbarrier.arrive $0xFFFF;
	(pc) =	sbr.rel @p0 .LBB2_1-.Ltmp4, $4  }
0x75: {  	[hbm:s16], [sflag:s0] =	dma.local [spmem:s1], $0x2800  }
0x76: {  	_ =	swait.ge [sflag:s19], $0x2800  }
0x77: {  	[sflag:s19] =	ssyncset.done $0x0  }
0x78: {  	[sflag:s19] =	ssyncadd.s32 $0xFFFFD800  }
0x79: {  	_ =	sfence.sel $0x180000  }
0x7a: {  	[bflag:$0x0] =	sbarrier.arrive $0xFFFF  }
0x7b: {  	_ =	strace $0x9000004A  }
0x7c: {  	s0 =	stileid.u32;
	[bflag:$0x2] =	sbarrier.arrive $0xFFFF  }
0x7d: {  	p0 =	sne.s32 s0, $0x0;
	s0 =	rddreg [dreg:$0x2]  }
0x7e: {  	s0 =	sadd.s32 @!p0 $0x100000, s0  }
0x7f: {  	[sflag:s0] =	ssyncadd.tile.s32 @!p0 $0x1;
	_ =	shalt  }
.Lfunc_end2:
_tile_overlayer_lowered:
.L_overlay_start_2:
0x80: {  	(tag) =	ssettag $0x2  }
0x81: {  	s0 =	rddreg [dreg:$0x0];
	s2 =	stileid.u32  }
0x82: {  	s1 =	rddreg [dreg:$0x1];
	p0 =	sne.s32 s2, $0x0  }
0x83: {  	s3 =	rddreg [dreg:$0x2];
	[bflag:$0x3] =	sbarrier.arrive $0xFFFF;
	s2 =	simm.s32 @!p0 $0x1C0A  }
0x84: {  	[timem:s3], [sflag:s2] =	dma.local @!p0 [hbm:s0], s1  }
0x85: {  	s0 =	simm.s32 @!p0 $0xA  }
0x86: {  	_ =	swait.ge @!p0 [sflag:s0], s1  }
0x87: {  	s1 =	ssub.s32 @!p0 $0x0, s1;
	[sflag:s0] =	ssyncset.done @!p0 $0x0  }
0x88: {  	[sflag:s0] =	ssyncadd.s32 @!p0 s1  }
0x89: {  	[bflag:$0x3] =	sbarrier.arrive $0xFFFF  }
0x8a: {  	_ =	shalt  }

// kernel: kernel.14.cloned.1.call-start
scs
__scs_entry_jumppad:
0x0: {  	(pc) =	sbr.rel $0x88, $3  }
0x1: {  	(tag) =	ssettag $0x0;
	lr =	simm.s32 $0x1  }
0x2: {  	[smem:$0x3F99] =	sst lr;
	_ =	strace $0xD0000000  }
0x3: {  	_ = 	snop  }
0x4: {  	_ = 	snop  }
0x5: {  	_ = 	snop  }
0x6: {  	_ = 	snop  }
0x7: {  	_ = 	snop  }
__scs_overlays_trampoline_lowered:
0x8: {  	[smem:$0x3FA8] =	sst s0  }
0x9: {  	[smem:$0x3FA9] =	sst s1  }
0xa: {  	[smem:$0x3FAA] =	sst s2  }
0xb: {  	[smem:$0x3FAB] =	sst s3  }
0xc: {  	[smem:$0x3FAC] =	sst s4  }
0xd: {  	[smem:$0x3FAD] =	sst s5  }
0xe: {  	[smem:$0x3FAE] =	sst s6  }
0xf: {  	[smem:$0x3FAF] =	sst s7  }
0x10: {  	[smem:$0x3FB0] =	sst s8  }
0x11: {  	[smem:$0x3FB1] =	sst s9;
	s0 =	simm.s32 @!p0 $0x0  }
0x12: {  	s1 =	sld [smem:$0x3F97];
	s0 =	simm.s32 @p0 $0x1  }
0x13: {  	[smem:$0x3FB2] =	sst s0;
	s0 =	simm.s32 @!p1 $0x0  }
0x14: {  	s2 =	sld [smem:$0x3F96];
	s0 =	simm.s32 @p1 $0x1  }
0x15: {  	[smem:$0x3FB3] =	sst s0;
	s0 =	simm.s32 @!p2 $0x0  }
0x16: {  	s3 =	sld [smem:$0x3FDB];
	s0 =	simm.s32 @p2 $0x1  }
0x17: {  	s4 =	simm.s32 $0x1BF5;
	[smem:$0x3FB5] =	sst s0  }
0x18: {  	s0 =	sld [smem:$0x3F98];
	_ =	swait.ge [sflag:s4], $0x0  }
0x19: {  	s7 =	sld [smem:$0x3F99]  }
0x1a: {  	s8 =	sadd.s32 $0xFFFFE003, lr  }
0x1b: {  	s9 =	sadd.s32 $0xFFFFFEF7, lr;
	s5 =	simm.s32 $0xFFFFFFFF;
	p2 =	slt.u32 s8, $0xFFFFF086  }
0x1c: {  	p1 =	slt.u32 s9, $0xF7A;
	s5 =	simm.s32 @!p2 $0x0  }
0x1d: {  	s5 =	simm.s32 @p1 $0x1;
	p0 =	seq.s32 s7, s2  }
0x1e: {  	s7 =	smul.u32 @!p0 $0xF7A, s2;
	p2 =	seq.s32 @!p0 s5, $0x0  }
0x1f: {  	s9 =	smul.u32 $0xF7A, s1;
	s8 =	simm.s32 @!p0 $0x1BF5;
	p2 =	por !p2, p0  }
0x20: {  	[sflag:s8] =	ssyncset.s32 @!p0 $0xFFFFF086;
	s6 =	sadd.s32 @!p0 s3, s7;
	s7 =	simm.s32 @!p0 $0x108  }
0x21: {  	s3 =	sadd.s32 s3, s9;
	s6 =	sadd.s32 @!p0 $0x88, s6;
	s7 =	simm.s32 @p2 $0x1082  }
0x22: {  	[simem:s7], [sflag:s8] =	dma.local @!p0 [hbm:s6], $0xF7A  }
0x23: {  	s9 =	sor.u32 $0xD0000000, s2;
	s6 =	simm.s32 $0x108;
	_ =	swait.ge @!p0 [sflag:s8], $0x0  }
0x24: {  	s3 =	sadd.s32 $0x88, s3;
	s6 =	simm.s32 @!p1 $0x1082;
	[sflag:s4] =	ssyncset.s32 $0xFFFFF086  }
0x25: {  	[simem:s6], [sflag:s4] =	dma.local [hbm:s3], $0xF7A  }
0x26: {  	[smem:$0x3F99] =	sst s1;
	(tag) =	ssettag s2;
	_ =	strace s9  }
0x27: {  	s1 =	sld [smem:$0x3FA9]  }
0x28: {  	s2 =	sld [smem:$0x3FAA]  }
0x29: {  	s4 =	sld [smem:$0x3FAC]  }
0x2a: {  	p0 =	seq.s32 s5, $0x0;
	s5 =	sld [smem:$0x3FAD]  }
0x2b: {  	s6 =	sld [smem:$0x3FAE]  }
0x2c: {  	s7 =	sld [smem:$0x3FAF]  }
0x2d: {  	s3 =	simm.s32 $0x108;
	s8 =	sld [smem:$0x3FB0]  }
0x2e: {  	s3 =	simm.s32 @!p0 $0x1082;
	s9 =	sld [smem:$0x3FB1]  }
0x2f: {  	lr =	sadd.s32 s0, s3;
	s0 =	sld [smem:$0x3FA8]  }
0x30: {  	s3 =	sld [smem:$0x3FAB]  }
0x31: {  	[smem:$0x3FB4] =	sst s10  }
0x32: {  	s10 =	sld [smem:$0x3FB2];
	_ =	sdelay $0x3  }
0x33: {  	p0 =	seq.s32 s10, $0x1;
	s10 =	sld [smem:$0x3FB4];
	_ =	sdelay $0x3  }
0x34: {  	[smem:$0x3FB4] =	sst s10  }
0x35: {  	s10 =	sld [smem:$0x3FB3];
	_ =	sdelay $0x3  }
0x36: {  	p1 =	seq.s32 s10, $0x1;
	s10 =	sld [smem:$0x3FB4];
	_ =	sdelay $0x3  }
0x37: {  	[smem:$0x3FB4] =	sst s10  }
0x38: {  	s10 =	sld [smem:$0x3FB5]  }
0x39: {  	_ = 	snop;
	(pc) =	sbr.ind lr, $3  }
0x3a: {  	_ = 	snop  }
0x3b: {  	_ = 	snop  }
0x3c: {  	p2 =	seq.s32 s10, $0x1;
	s10 =	sld [smem:$0x3FB4]  }
0x3d: {  	_ =	shalt  }
0x3e: {  	_ =	shalt  }
0x3f: {  	_ =	shalt  }
0x40: {  	_ =	shalt  }
0x41: {  	_ =	shalt  }
0x42: {  	_ =	shalt  }
0x43: {  	_ =	shalt  }
0x44: {  	_ =	shalt  }
0x45: {  	_ =	shalt  }
0x46: {  	_ =	shalt  }
0x47: {  	_ =	shalt  }
0x48: {  	_ =	shalt  }
0x49: {  	_ =	shalt  }
0x4a: {  	_ =	shalt  }
0x4b: {  	_ =	shalt  }
0x4c: {  	_ =	shalt  }
0x4d: {  	_ =	shalt  }
0x4e: {  	_ =	shalt  }
0x4f: {  	_ =	shalt  }
0x50: {  	_ =	shalt  }
0x51: {  	_ =	shalt  }
0x52: {  	_ =	shalt  }
0x53: {  	_ =	shalt  }
0x54: {  	_ =	shalt  }
0x55: {  	_ =	shalt  }
0x56: {  	_ =	shalt  }
0x57: {  	_ =	shalt  }
0x58: {  	_ =	shalt  }
0x59: {  	_ =	shalt  }
0x5a: {  	_ =	shalt  }
0x5b: {  	_ =	shalt  }
0x5c: {  	_ =	shalt  }
0x5d: {  	_ =	shalt  }
0x5e: {  	_ =	shalt  }
0x5f: {  	_ =	shalt  }
0x60: {  	_ =	shalt  }
0x61: {  	_ =	shalt  }
0x62: {  	_ =	shalt  }
0x63: {  	_ =	shalt  }
0x64: {  	_ =	shalt  }
0x65: {  	_ =	shalt  }
0x66: {  	_ =	shalt  }
0x67: {  	_ =	shalt  }
0x68: {  	_ =	shalt  }
0x69: {  	_ =	shalt  }
0x6a: {  	_ =	shalt  }
0x6b: {  	_ =	shalt  }
0x6c: {  	_ =	shalt  }
0x6d: {  	_ =	shalt  }
0x6e: {  	_ =	shalt  }
0x6f: {  	_ =	shalt  }
0x70: {  	_ =	shalt  }
0x71: {  	_ =	shalt  }
0x72: {  	_ =	shalt  }
0x73: {  	_ =	shalt  }
0x74: {  	_ =	shalt  }
0x75: {  	_ =	shalt  }
0x76: {  	_ =	shalt  }
0x77: {  	_ =	shalt  }
0x78: {  	_ =	shalt  }
0x79: {  	_ =	shalt  }
0x7a: {  	_ =	shalt  }
0x7b: {  	_ =	shalt  }
0x7c: {  	_ =	shalt  }
0x7d: {  	_ =	shalt  }
0x7e: {  	_ =	shalt  }
0x7f: {  	_ =	shalt  }
0x80: {  	_ =	shalt  }
0x81: {  	_ =	shalt  }
0x82: {  	_ =	shalt  }
0x83: {  	_ =	shalt  }
0x84: {  	_ =	shalt  }
0x85: {  	_ =	shalt  }
0x86: {  	_ =	shalt  }
0x87: {  	_ =	shalt  }
.Lfunc_end0:
.L_simem_size_0:
called_computation.2_lowered:
.L_overlay_start_0:
0x88: {  	s2 =	sld [smem:$0x3FD9]  }
0x89: {  	s3 =	sld [smem:$0x3FFE];
	_ =	sdelay $0x1  }
0x8a: {  	s1 =	srdreg.scid  }
0x8b: {  	s0 =	sand.u32 $0x1, s1  }
0x8c: {  	s16 =	sshll.u32 s0, $0xA;
	s2 =	sadd.s32 s3, s2  }
0x8d: {  	s2 =	sadd.s32 s2, s16  }
0x8e: {  	[smem:$0x3FC0] =	sst s2  }
0x8f: {  	_ = 	snop  }
0x90: {  	(tm) =	ssettm $0x1  }
0x91: {  	s17 =	sld [smem:$0x3FFB];
	_ =	sdelay $0x3  }
0x92: {  	_ =	strace s17  }
0x93: {  	s2 =	sld [smem:$0x3FFC];
	_ =	sdelay $0x3  }
0x94: {  	_ =	strace s2  }
0x95: {  	s2 =	sld [smem:$0x3FFD];
	_ =	sdelay $0x3  }
0x96: {  	_ =	strace s2  }
0x97: {  	_ =	strace $0x8FFFFFFF  }
0x98: {  	s18 =	sld [smem:$0x3FDB];
	_ =	sdelay $0x1  }
0x99: {  	s19 =	simm.s32 $_scs_section_size  }
0x9a: {  	s4 =	simm.s32 $_size__tile_overlayer_lowered;
	s5 =	simm.s32 $_tile_overlayer_lowered  }
0x9b: {  	s22 =	simm.s32 $0x1BFF;
	s21 =	sshll.u32 s5, $0x1;
	s2 =	sadd.s32 s19, s18  }
0x9c: {  	s6 =	simm.s32 $0x0;
	s20 =	sshll.u32 s4, $0x1;
	s4 =	sadd.s32 s21, s2  }
0x9d: {  	[timem:s6], [sflag:s22] =	dma.local [hbm:s4], s20  }
0x9e: {  	_ =	swait.ge [sflag:s22], s20  }
0x9f: {  	s3 =	ssub.s32 $0x0, s20;
	[sflag:s22] =	ssyncset.done $0x0  }
0xa0: {  	[sflag:s22] =	ssyncadd.s32 s3;
	_ =	sdelay $0x1  }
0xa1: {  	s23 =	simm.s32 $0x1B8B  }
0xa2: {  	_ =	swait.ge [sflag:s23], $0x1  }
0xa3: {  	[sflag:s23] =	ssyncset.done $0x0  }
0xa4: {  	s25 =	simm.s32 $0x1B8E;
	s24 =	sld [smem:$0x3FFE];
	[sflag:s23] =	ssyncadd.s32 $0xFFFFFFFF  }
0xa5: {  	s26 =	simm.s32 $execute0_lowered;
	[smem:$0x3FD2] =	sst s25  }
0xa6: {  	s4 =	sshll.u32 s26, $0x1;
	_ =	strace $0x8000004C;
	[dreg:$0x1] =	wrdreg $0xFFFFFFFF  }
0xa7: {  	s28 =	simm.s32 $_size_execute0_lowered;
	s2 =	sadd.s32 s2, s4;
	[dreg:$0x0] =	wrdreg $0x0  }
0xa8: {  	s4 =	sshll.u32 s28, $0x1;
	[dreg:$0x2] =	wrdreg s2  }
0xa9: {  	[dreg:$0x3] =	wrdreg s4  }
0xaa: {  	[dreg:$0x4] =	wrdreg $0xC0  }
0xab: {  	_ =	task [dreg:s6], $0x5FFFF  }
0xac: {  	[dreg:$0x1] =	wrdreg $0xFFFFFFFF  }
0xad: {  	[dreg:$0x0] =	wrdreg $0x60  }
0xae: {  	[dreg:$0x2] =	wrdreg s24  }
0xaf: {  	[dreg:$0x3] =	wrdreg $0xF0000  }
0xb0: {  	[dreg:$0x4] =	wrdreg $0x9  }
0xb1: {  	_ =	task.clear_ibuf [dreg:s6], $0x5FFFF;
	_ =	strace $0x9000004C  }
0xb2: {  	s29 =	simm.s32 $0x9;
	_ =	strace $0x8000004E  }
0xb3: {  	_ =	swait.ge [sflag:s29], $0x1  }
0xb4: {  	[sflag:s29] =	ssyncadd.s32 $0xFFFFFFFF  }
0xb5: {  	_ =	strace $0x9000004E  }
0xb6: {  	_ =	sfence  }
0xb7: {  	s30 =	sld [smem:$0x0];
	_ =	sdelay $0x2  }
0xb8: {  	s31 =	sshll.u32 s1, $0xD;
	s1 =	sshrl.u32 s1, $0x2  }
0xb9: {  	s3 =	sand.u32 $0x4000, s31;
	s1 =	sadd.s32 s1, s30  }
0xba: {  	s0 =	sor.u32 s3, s0;
	s1 =	sshll.u32 s1, $0x11  }
0xbb: {  	s0 =	sor.u32 s1, s0  }
0xbc: {  	s0 =	sadd.s32 $0x8F2B, s0  }
0xbd: {  	[sflag:s0] =	ssyncadd.remote.s32 $0x1  }
0xbe: {  	_ =	sfence.sel $0xFFFF  }
0xbf: {  	[dreg:$0x0] =	wrdreg $0xFFFFFFFF;
	(pc) =	sbr.abs _section_cstart, $3  }
0xc0: {  	[dreg:$0x1] =	wrdreg $0xFFFFFFFF  }
0xc1: {  	_ =	task.clear_ibuf [dreg:s6], $0x2FFFF;
	_ =	strace $0x9FFFFFFF  }
0xc2: {  	(tm) =	ssettm $0x7FFFFFFF  }
0xc3: {  	_ =	shalt  }
tec
execute0_lowered:
.L_overlay_start_1:
0x0: {  	(tag) =	ssettag $0x1  }
0x1: {  	s5 =	rddreg [dreg:$0x0]  }
0x2: {  	s1 =	rddreg [dreg:$0x1]  }
0x3: {  	s2 =	srdreg.scid;
	s0 =	rddreg [dreg:$0x2];
	s3 =	simm.s32 $0x0  }
0x4: {  	s12 =	simm.s32 $0x4F00;
	s13 =	simm.s32 $0x1;
	s14 =	simm.s32 $0x2  }
0x5: {  	s15 =	simm.s32 $0x3;
	s16 =	simm.s32 $0x9F00;
	s17 =	simm.s32 $0xA0  }
0x6: {  	s18 =	simm.s32 $0xEF00;
	s19 =	simm.s32 $0x4;
	s21 =	simm.s32 $0x0  }
0x7: {  	s6 =	sand.u32 $0x1, s2;
	s2 =	stileid.u32;
	[smem:$0x7FF] =	sst s3  }
0x8: {  	s4 =	sshll.u32 s6, $0x4;
	s7 =	smul.u32 $0x5000, s6;
	_ =	strace $0x8000004D  }
0x9: {  	s9 =	sshll.u32 s2, $0xB;
	s6 =	ssub.s32 $0x2, s6;
	p0 =	sgt.u32 s2, $0x9  }
0xa: {  	s4 =	sor.u32 s2, s4;
	s10 =	sshrl.u32 s6, $0x1;
	s20 =	sshll.u32 @!p0 s2, $0x6  }
0xb: {  	s8 =	smul.u32 $0x4E2, s4;
	s4 =	sadd.s32 $0x16000, s5;
	s7 =	sadd.s32 s9, s7  }
0xc: {  	v0 =	vimm.f32 $0.0e+00;
	v1 =	vlaneseq.u32;
	s10 =	ssub.s32 s6, s10;
	s20 =	sor.u32 @!p0 $0x1C04, s20;
	s7 =	sshrl.u32 s7, $0x3  }
0xd: {  	v2 =	vor.u32 $0x10, v1;
	v3 =	vor.u32 $0x20, v1;
	v4 =	vor.u32 $0x30, v1;
	s10 =	smax.u32 s10, $0x1;
	s8 =	sadd.s32 s8, s5;
	s11 =	sadd.s32 s7, s5  }
0xe: {  	v5 =	vor.u32 $0x40, v1;
	v6 =	vor.u32 $0x50, v1;
	v7 =	vor.u32 $0x60, v1;
	s7 =	sadd.s32 s9, s1;
	s5 =	sadd.s32 $0x2400, s8;
	s6 =	sadd.s32 $0xC200, s8  }
0xf: {  	v8 =	vor.u32 $0x70, v1;
	v9 =	vor.u32 $0x80, v1;
	v10 =	vor.u32 $0x90, v1;
	s8 =	sadd.s32 $0x9F00, s9;
	s9 =	sadd.s32 $0x16A00, s11;
	s11 =	simm.s32 $0x2780  }
.LBB2_1:
0x10: {  	[tilespmem:s3], [sflag:$0x1] =	stream.linear.gather [hbm4b:s5+s3], $0x2710, $0x38;
	[tilespmem:$0xF500] =	vst v63  }
0x11: {  	s22 =	sand.u32 $0x1FE00, s3  }
0x12: {  	s23 =	sand.u32 $0x70, s3;
	s24 =	sshrl.u32 s22, $0x2  }
0x13: {  	[tilespmem:s11], [sflag:$0x2] =	stream.linear.gather [hbm4b:s6+s3], $0x2710, $0x38;
	[tilespmem:$0xF500] =	vst v63  }
0x14: {  	s22 =	simm.s32 $0x40;
	s24 =	sor.u32 s23, s24;
	s23 =	simm.s32 $0x0  }
0x15: {  	[tilespmem:s12], [sflag:$0x3] =	stream.linear.gather [hbm4b:s4+s3], $0x5000, $0x38;
	[tilespmem:$0xF500] =	vst v63  }
.LBB2_2:
0x16: {  	p1 =	sne.s32 s22, $0x13FC0  }
0x17: {  	[tilespmem:s24+$0x9F00] =	vst v0;
	s23 =	sadd.s32 $0x10, s23;
	s24 =	smov.u32 s22;
	s22 =	sadd.s32 $0x40, s22  }
.Ltmp0:
0x18: {  	(pc) =	sbr.rel @p1 .LBB2_2-.Ltmp0, $4  }
0x19: {  	_ = 	snop  }
0x1a: {  	s24 =	sand.u32 $0x1FE00, s24  }
0x1b: {  	s25 =	sand.u32 $0x70, s23;
	s24 =	sshrl.u32 s24, $0x2  }
0x1c: {  	s24 =	sor.u32 s25, s24  }
0x1d: {  	[tilespmem:s24+$0x9F00] =	vst v0  }
0x1e: {  	[tilespmem:$0xEF00] =	vst v1  }
0x1f: {  	[tilespmem:$0xEF10] =	vst v2  }
0x20: {  	[tilespmem:$0xEF20] =	vst v3  }
0x21: {  	[tilespmem:$0xEF30] =	vst v4  }
0x22: {  	[tilespmem:$0xEF40] =	vst v5  }
0x23: {  	[tilespmem:$0xEF50] =	vst v6  }
0x24: {  	[tilespmem:$0xEF60] =	vst v7  }
0x25: {  	[tilespmem:$0xEF70] =	vst v8  }
0x26: {  	[tilespmem:$0xEF80] =	vst v9  }
0x27: {  	s22 =	simm.s32 @!p0 $0x4;
	[tilespmem:$0xEF90] =	vst v10  }
0x28: {  	[spmem:s7] =	stream.linear.scatter @!p0 [tilespmem:s8], [sflag:$0x4], $0x800, $0x38;
	[tilespmem:$0xF500] =	vst v63  }
0x29: {  	_ =	swait.ge @!p0 [sflag:s22], $0x800  }
0x2a: {  	[sflag:s22] =	ssyncset.done @!p0 $0x0  }
0x2b: {  	[sflag:s22] =	ssyncadd.s32 @!p0 $0xFFFFF800  }
0x2c: {  	_ =	swait.ge [sflag:s13], $0x2710  }
0x2d: {  	[sflag:s13] =	ssyncset.done $0x0  }
0x2e: {  	[sflag:s13] =	ssyncadd.s32 $0xFFFFD8F0  }
0x2f: {  	_ =	swait.ge [sflag:s14], $0x2710  }
0x30: {  	[sflag:s14] =	ssyncset.done $0x0  }
0x31: {  	[sflag:s14] =	ssyncadd.s32 $0xFFFFD8F0  }
0x32: {  	_ =	swait.ge [sflag:s15], $0x5000  }
0x33: {  	[sflag:s15] =	ssyncset.done $0x0  }
0x34: {  	[sflag:s15] =	ssyncadd.s32 $0xFFFFB000  }
0x35: {  	s23 =	simm.s32 $0x0;
	s22 =	simm.s32 $0x40;
	[bflag:$0x0] =	sbarrier.arrive $0xFFFF  }
.LBB2_4:
0x36: {  	p1 =	sne.s32 s22, $0x9C00;
	v11 =	vld [tilespmem:s23+$0x0]  }
0x37: {  	v12 =	vld [tilespmem:s23+$0x2780];
	_ =	sdelay $0x6  }
0x38: {  	v13 =	vld.idx.msk [tilespmem:v11+s12+$0x0], $0xffff;
	_ =	sdelay $0x1  }
0x39: {  	v11 =	vadd.s32 $0x2800, v11;
	_ =	sdelay $0x3  }
0x3a: {  	[tilespmem:v12+s16+$0x0] =	vst.idx.add.f32.msk $0xffff, v13  }
0x3b: {  	v11 =	vld.idx.msk [tilespmem:v11+s12+$0x0], $0xffff  }
0x3c: {  	v12 =	vadd.s32 $0x2800, v12  }
.Ltmp1:
0x3d: {  	(pc) =	sbr.rel @p1 .LBB2_4-.Ltmp1, $2  }
0x3e: {  	_ =	sdelay $0x2  }
0x3f: {  	s23 =	sshra.s32 s22, $0x2;
	s22 =	sadd.s32 $0x40, s22;
	[tilespmem:v12+s16+$0x0] =	vst.idx.add.f32.msk $0xffff, v11  }
0x40: {  	v11 =	vld [tilespmem:s23+$0x0];
	_ =	sdelay $0x4  }
0x41: {  	v12 =	vld [tilespmem:s23+$0x2780];
	_ =	sdelay $0x2  }
0x42: {  	v13 =	vld.idx.msk [tilespmem:v11+s12+$0x0], $0xffff  }
0x43: {  	v11 =	vadd.s32 $0x2800, v11;
	_ =	sdelay $0x3  }
0x44: {  	[tilespmem:v12+s16+$0x0] =	vst.idx.add.f32.msk $0xffff, v13  }
0x45: {  	v12 =	vadd.s32 $0x2800, v12;
	v11 =	vld.idx.msk [tilespmem:v11+s12+$0x0], $0xffff;
	_ =	sdelay $0x4  }
0x46: {  	[tilespmem:v12+s16+$0x0] =	vst.idx.add.f32.msk $0xffff, v11  }
0x47: {  	[spmem:s1] =	stream.indirect.scatter.add.f32 [tilespmem:s16], [sflag:$0x4], $0x80, s18, s17, $0xb8;
	[tilespmem:$0xF500] =	vst v63  }
0x48: {  	_ =	swait.ge [sflag:s19], $0x5000  }
0x49: {  	[sflag:s19] =	ssyncset.done $0x0  }
0x4a: {  	s21 =	sadd.s32 $0x1, s21;
	[sflag:s19] =	ssyncadd.s32 $0xFFFFB000  }
0x4b: {  	s22 =	sshrl.u32 @!p0 s7, $0x3;
	p1 =	sne.s32 s21, s10;
	[bflag:$0x0] =	sbarrier.arrive $0xFFFF  }
0x4c: {  	[hbm:s9], [sflag:s20] =	dma.local @!p0 [spmem:s22], $0x100  }
.Ltmp2:
0x4d: {  	_ = 	snop;
	(pc) =	sbr.rel @p1 .LBB2_1-.Ltmp2, $4  }
0x4e: {  	s22 =	simm.s32 @!p0 $0x4  }
0x4f: {  	_ =	swait.ge @!p0 [sflag:s22], $0x100  }
0x50: {  	[sflag:s22] =	ssyncset.done @!p0 $0x0  }
0x51: {  	[sflag:s22] =	ssyncadd.s32 @!p0 $0xFFFFFF00  }
0x52: {  	_ =	sfence.sel $0x180000  }
0x53: {  	[bflag:$0x0] =	sbarrier.arrive $0xFFFF  }
0x54: {  	p0 =	sne.s32 s2, $0x0;
	_ =	strace $0x9000004D  }
0x55: {  	s0 =	sadd.s32 @!p0 $0x100000, s0;
	[bflag:$0x2] =	sbarrier.arrive $0xFFFF  }
0x56: {  	[sflag:s0] =	ssyncadd.tile.s32 @!p0 $0x1;
	_ =	shalt  }
.Lfunc_end2:
_tile_overlayer_lowered:
.L_overlay_start_2:
0x57: {  	(tag) =	ssettag $0x2  }
0x58: {  	s0 =	rddreg [dreg:$0x0];
	s2 =	stileid.u32  }
0x59: {  	s1 =	rddreg [dreg:$0x1];
	p0 =	sne.s32 s2, $0x0  }
0x5a: {  	s3 =	rddreg [dreg:$0x2];
	[bflag:$0x3] =	sbarrier.arrive $0xFFFF;
	s2 =	simm.s32 @!p0 $0x1C04  }
0x5b: {  	[timem:s3], [sflag:s2] =	dma.local @!p0 [hbm:s0], s1  }
0x5c: {  	s0 =	simm.s32 @!p0 $0x4  }
0x5d: {  	_ =	swait.ge @!p0 [sflag:s0], s1  }
0x5e: {  	s1 =	ssub.s32 @!p0 $0x0, s1;
	[sflag:s0] =	ssyncset.done @!p0 $0x0  }
0x5f: {  	[sflag:s0] =	ssyncadd.s32 @!p0 s1  }
0x60: {  	[bflag:$0x3] =	sbarrier.arrive $0xFFFF  }
0x61: {  	_ =	shalt  }

// kernel: kernel.8.cloned.1.call-start
scs
__scs_entry_jumppad:
0x0: {  	(pc) =	sbr.rel $0x88, $3  }
0x1: {  	(tag) =	ssettag $0x0;
	lr =	simm.s32 $0x1  }
0x2: {  	[smem:$0x3F99] =	sst lr;
	_ =	strace $0xD0000000  }
0x3: {  	_ = 	snop  }
0x4: {  	_ = 	snop  }
0x5: {  	_ = 	snop  }
0x6: {  	_ = 	snop  }
0x7: {  	_ = 	snop  }
__scs_overlays_trampoline_lowered:
0x8: {  	[smem:$0x3FA8] =	sst s0  }
0x9: {  	[smem:$0x3FA9] =	sst s1  }
0xa: {  	[smem:$0x3FAA] =	sst s2  }
0xb: {  	[smem:$0x3FAB] =	sst s3  }
0xc: {  	[smem:$0x3FAC] =	sst s4  }
0xd: {  	[smem:$0x3FAD] =	sst s5  }
0xe: {  	[smem:$0x3FAE] =	sst s6  }
0xf: {  	[smem:$0x3FAF] =	sst s7  }
0x10: {  	[smem:$0x3FB0] =	sst s8  }
0x11: {  	[smem:$0x3FB1] =	sst s9;
	s0 =	simm.s32 @!p0 $0x0  }
0x12: {  	s1 =	sld [smem:$0x3F97];
	s0 =	simm.s32 @p0 $0x1  }
0x13: {  	[smem:$0x3FB2] =	sst s0;
	s0 =	simm.s32 @!p1 $0x0  }
0x14: {  	s2 =	sld [smem:$0x3F96];
	s0 =	simm.s32 @p1 $0x1  }
0x15: {  	[smem:$0x3FB3] =	sst s0;
	s0 =	simm.s32 @!p2 $0x0  }
0x16: {  	s3 =	sld [smem:$0x3FDB];
	s0 =	simm.s32 @p2 $0x1  }
0x17: {  	s4 =	simm.s32 $0x1BF5;
	[smem:$0x3FB5] =	sst s0  }
0x18: {  	s0 =	sld [smem:$0x3F98];
	_ =	swait.ge [sflag:s4], $0x0  }
0x19: {  	s7 =	sld [smem:$0x3F99]  }
0x1a: {  	s8 =	sadd.s32 $0xFFFFE003, lr  }
0x1b: {  	s9 =	sadd.s32 $0xFFFFFEF7, lr;
	s5 =	simm.s32 $0xFFFFFFFF;
	p2 =	slt.u32 s8, $0xFFFFF086  }
0x1c: {  	p1 =	slt.u32 s9, $0xF7A;
	s5 =	simm.s32 @!p2 $0x0  }
0x1d: {  	s5 =	simm.s32 @p1 $0x1;
	p0 =	seq.s32 s7, s2  }
0x1e: {  	s7 =	smul.u32 @!p0 $0xF7A, s2;
	p2 =	seq.s32 @!p0 s5, $0x0  }
0x1f: {  	s9 =	smul.u32 $0xF7A, s1;
	s8 =	simm.s32 @!p0 $0x1BF5;
	p2 =	por !p2, p0  }
0x20: {  	[sflag:s8] =	ssyncset.s32 @!p0 $0xFFFFF086;
	s6 =	sadd.s32 @!p0 s3, s7;
	s7 =	simm.s32 @!p0 $0x108  }
0x21: {  	s3 =	sadd.s32 s3, s9;
	s6 =	sadd.s32 @!p0 $0x88, s6;
	s7 =	simm.s32 @p2 $0x1082  }
0x22: {  	[simem:s7], [sflag:s8] =	dma.local @!p0 [hbm:s6], $0xF7A  }
0x23: {  	s9 =	sor.u32 $0xD0000000, s2;
	s6 =	simm.s32 $0x108;
	_ =	swait.ge @!p0 [sflag:s8], $0x0  }
0x24: {  	s3 =	sadd.s32 $0x88, s3;
	s6 =	simm.s32 @!p1 $0x1082;
	[sflag:s4] =	ssyncset.s32 $0xFFFFF086  }
0x25: {  	[simem:s6], [sflag:s4] =	dma.local [hbm:s3], $0xF7A  }
0x26: {  	[smem:$0x3F99] =	sst s1;
	(tag) =	ssettag s2;
	_ =	strace s9  }
0x27: {  	s1 =	sld [smem:$0x3FA9]  }
0x28: {  	s2 =	sld [smem:$0x3FAA]  }
0x29: {  	s4 =	sld [smem:$0x3FAC]  }
0x2a: {  	p0 =	seq.s32 s5, $0x0;
	s5 =	sld [smem:$0x3FAD]  }
0x2b: {  	s6 =	sld [smem:$0x3FAE]  }
0x2c: {  	s7 =	sld [smem:$0x3FAF]  }
0x2d: {  	s3 =	simm.s32 $0x108;
	s8 =	sld [smem:$0x3FB0]  }
0x2e: {  	s3 =	simm.s32 @!p0 $0x1082;
	s9 =	sld [smem:$0x3FB1]  }
0x2f: {  	lr =	sadd.s32 s0, s3;
	s0 =	sld [smem:$0x3FA8]  }
0x30: {  	s3 =	sld [smem:$0x3FAB]  }
0x31: {  	[smem:$0x3FB4] =	sst s10  }
0x32: {  	s10 =	sld [smem:$0x3FB2];
	_ =	sdelay $0x3  }
0x33: {  	p0 =	seq.s32 s10, $0x1;
	s10 =	sld [smem:$0x3FB4];
	_ =	sdelay $0x3  }
0x34: {  	[smem:$0x3FB4] =	sst s10  }
0x35: {  	s10 =	sld [smem:$0x3FB3];
	_ =	sdelay $0x3  }
0x36: {  	p1 =	seq.s32 s10, $0x1;
	s10 =	sld [smem:$0x3FB4];
	_ =	sdelay $0x3  }
0x37: {  	[smem:$0x3FB4] =	sst s10  }
0x38: {  	s10 =	sld [smem:$0x3FB5]  }
0x39: {  	_ = 	snop;
	(pc) =	sbr.ind lr, $3  }
0x3a: {  	_ = 	snop  }
0x3b: {  	_ = 	snop  }
0x3c: {  	p2 =	seq.s32 s10, $0x1;
	s10 =	sld [smem:$0x3FB4]  }
0x3d: {  	_ =	shalt  }
0x3e: {  	_ =	shalt  }
0x3f: {  	_ =	shalt  }
0x40: {  	_ =	shalt  }
0x41: {  	_ =	shalt  }
0x42: {  	_ =	shalt  }
0x43: {  	_ =	shalt  }
0x44: {  	_ =	shalt  }
0x45: {  	_ =	shalt  }
0x46: {  	_ =	shalt  }
0x47: {  	_ =	shalt  }
0x48: {  	_ =	shalt  }
0x49: {  	_ =	shalt  }
0x4a: {  	_ =	shalt  }
0x4b: {  	_ =	shalt  }
0x4c: {  	_ =	shalt  }
0x4d: {  	_ =	shalt  }
0x4e: {  	_ =	shalt  }
0x4f: {  	_ =	shalt  }
0x50: {  	_ =	shalt  }
0x51: {  	_ =	shalt  }
0x52: {  	_ =	shalt  }
0x53: {  	_ =	shalt  }
0x54: {  	_ =	shalt  }
0x55: {  	_ =	shalt  }
0x56: {  	_ =	shalt  }
0x57: {  	_ =	shalt  }
0x58: {  	_ =	shalt  }
0x59: {  	_ =	shalt  }
0x5a: {  	_ =	shalt  }
0x5b: {  	_ =	shalt  }
0x5c: {  	_ =	shalt  }
0x5d: {  	_ =	shalt  }
0x5e: {  	_ =	shalt  }
0x5f: {  	_ =	shalt  }
0x60: {  	_ =	shalt  }
0x61: {  	_ =	shalt  }
0x62: {  	_ =	shalt  }
0x63: {  	_ =	shalt  }
0x64: {  	_ =	shalt  }
0x65: {  	_ =	shalt  }
0x66: {  	_ =	shalt  }
0x67: {  	_ =	shalt  }
0x68: {  	_ =	shalt  }
0x69: {  	_ =	shalt  }
0x6a: {  	_ =	shalt  }
0x6b: {  	_ =	shalt  }
0x6c: {  	_ =	shalt  }
0x6d: {  	_ =	shalt  }
0x6e: {  	_ =	shalt  }
0x6f: {  	_ =	shalt  }
0x70: {  	_ =	shalt  }
0x71: {  	_ =	shalt  }
0x72: {  	_ =	shalt  }
0x73: {  	_ =	shalt  }
0x74: {  	_ =	shalt  }
0x75: {  	_ =	shalt  }
0x76: {  	_ =	shalt  }
0x77: {  	_ =	shalt  }
0x78: {  	_ =	shalt  }
0x79: {  	_ =	shalt  }
0x7a: {  	_ =	shalt  }
0x7b: {  	_ =	shalt  }
0x7c: {  	_ =	shalt  }
0x7d: {  	_ =	shalt  }
0x7e: {  	_ =	shalt  }
0x7f: {  	_ =	shalt  }
0x80: {  	_ =	shalt  }
0x81: {  	_ =	shalt  }
0x82: {  	_ =	shalt  }
0x83: {  	_ =	shalt  }
0x84: {  	_ =	shalt  }
0x85: {  	_ =	shalt  }
0x86: {  	_ =	shalt  }
0x87: {  	_ =	shalt  }
.Lfunc_end0:
.L_simem_size_0:
called_computation_lowered:
.L_overlay_start_0:
0x88: {  	s2 =	sld [smem:$0x3FD9]  }
0x89: {  	s3 =	sld [smem:$0x3FFE];
	_ =	sdelay $0x1  }
0x8a: {  	s1 =	srdreg.scid  }
0x8b: {  	s0 =	sand.u32 $0x1, s1  }
0x8c: {  	s16 =	sshll.u32 s0, $0xA;
	s2 =	sadd.s32 s3, s2  }
0x8d: {  	s2 =	sadd.s32 s2, s16  }
0x8e: {  	[smem:$0x3FC0] =	sst s2  }
0x8f: {  	_ = 	snop  }
0x90: {  	(tm) =	ssettm $0x1  }
0x91: {  	s17 =	sld [smem:$0x3FFB];
	_ =	sdelay $0x3  }
0x92: {  	_ =	strace s17  }
0x93: {  	s2 =	sld [smem:$0x3FFC];
	_ =	sdelay $0x3  }
0x94: {  	_ =	strace s2  }
0x95: {  	s2 =	sld [smem:$0x3FFD];
	_ =	sdelay $0x3  }
0x96: {  	_ =	strace s2  }
0x97: {  	_ =	strace $0x8FFFFFFF  }
0x98: {  	s18 =	sld [smem:$0x3FDB];
	_ =	sdelay $0x1  }
0x99: {  	s19 =	simm.s32 $_scs_section_size  }
0x9a: {  	s4 =	simm.s32 $_size__tile_overlayer_lowered;
	s5 =	simm.s32 $_tile_overlayer_lowered  }
0x9b: {  	s22 =	simm.s32 $0x1BFF;
	s21 =	sshll.u32 s5, $0x1;
	s2 =	sadd.s32 s19, s18  }
0x9c: {  	s6 =	simm.s32 $0x0;
	s20 =	sshll.u32 s4, $0x1;
	s4 =	sadd.s32 s21, s2  }
0x9d: {  	[timem:s6], [sflag:s22] =	dma.local [hbm:s4], s20  }
0x9e: {  	_ =	swait.ge [sflag:s22], s20  }
0x9f: {  	s3 =	ssub.s32 $0x0, s20;
	[sflag:s22] =	ssyncset.done $0x0  }
0xa0: {  	[sflag:s22] =	ssyncadd.s32 s3;
	_ =	sdelay $0x1  }
0xa1: {  	s23 =	simm.s32 $0x1B8B  }
0xa2: {  	_ =	swait.ge [sflag:s23], $0x1  }
0xa3: {  	[sflag:s23] =	ssyncset.done $0x0  }
0xa4: {  	s25 =	simm.s32 $0x1B8E;
	s24 =	sld [smem:$0x3FFE];
	[sflag:s23] =	ssyncadd.s32 $0xFFFFFFFF  }
0xa5: {  	s26 =	simm.s32 $execute0_lowered;
	[smem:$0x3FD2] =	sst s25  }
0xa6: {  	s4 =	sshll.u32 s26, $0x1;
	_ =	strace $0x80000046;
	[dreg:$0x1] =	wrdreg $0xFFFFFFFF  }
0xa7: {  	s28 =	simm.s32 $_size_execute0_lowered;
	s2 =	sadd.s32 s2, s4;
	[dreg:$0x0] =	wrdreg $0x0  }
0xa8: {  	s4 =	sshll.u32 s28, $0x1;
	[dreg:$0x2] =	wrdreg s2  }
0xa9: {  	[dreg:$0x3] =	wrdreg s4  }
0xaa: {  	[dreg:$0x4] =	wrdreg $0xC0  }
0xab: {  	_ =	task [dreg:s6], $0x5FFFF  }
0xac: {  	[dreg:$0x1] =	wrdreg $0xFFFFFFFF  }
0xad: {  	[dreg:$0x0] =	wrdreg $0x60  }
0xae: {  	[dreg:$0x2] =	wrdreg s24  }
0xaf: {  	[dreg:$0x3] =	wrdreg $0x50000  }
0xb0: {  	[dreg:$0x4] =	wrdreg $0x9  }
0xb1: {  	_ =	task.clear_ibuf [dreg:s6], $0x5FFFF;
	_ =	strace $0x90000046  }
0xb2: {  	s29 =	simm.s32 $0x9;
	_ =	strace $0x80000048  }
0xb3: {  	_ =	swait.ge [sflag:s29], $0x1  }
0xb4: {  	[sflag:s29] =	ssyncadd.s32 $0xFFFFFFFF  }
0xb5: {  	_ =	strace $0x90000048  }
0xb6: {  	_ =	sfence  }
0xb7: {  	s30 =	sld [smem:$0x0];
	_ =	sdelay $0x2  }
0xb8: {  	s31 =	sshll.u32 s1, $0xD;
	s1 =	sshrl.u32 s1, $0x2  }
0xb9: {  	s3 =	sand.u32 $0x4000, s31;
	s1 =	sadd.s32 s1, s30  }
0xba: {  	s0 =	sor.u32 s3, s0;
	s1 =	sshll.u32 s1, $0x11  }
0xbb: {  	s0 =	sor.u32 s1, s0  }
0xbc: {  	s0 =	sadd.s32 $0x8F2B, s0  }
0xbd: {  	[sflag:s0] =	ssyncadd.remote.s32 $0x1  }
0xbe: {  	_ =	sfence.sel $0xFFFF  }
0xbf: {  	[dreg:$0x0] =	wrdreg $0xFFFFFFFF;
	(pc) =	sbr.abs _section_cstart, $3  }
0xc0: {  	[dreg:$0x1] =	wrdreg $0xFFFFFFFF  }
0xc1: {  	_ =	task.clear_ibuf [dreg:s6], $0x2FFFF;
	_ =	strace $0x9FFFFFFF  }
0xc2: {  	(tm) =	ssettm $0x7FFFFFFF  }
0xc3: {  	_ =	shalt  }
tec
execute0_lowered:
.L_overlay_start_1:
0x0: {  	(tag) =	ssettag $0x1  }
0x1: {  	s4 =	rddreg [dreg:$0x0]  }
0x2: {  	s2 =	rddreg [dreg:$0x1]  }
0x3: {  	s1 =	srdreg.scid;
	s0 =	rddreg [dreg:$0x2];
	s3 =	simm.s32 $0x0  }
0x4: {  	s10 =	simm.s32 $0x2780;
	s11 =	simm.s32 $0x50;
	s12 =	simm.s32 $0x4F80  }
0x5: {  	s15 =	simm.s32 $0x0;
	s5 =	sand.u32 $0x1, s1;
	s1 =	stileid.u32  }
0x6: {  	[smem:$0x7FF] =	sst s3;
	s6 =	sshll.u32 s5, $0x4;
	s7 =	smul.u32 $0x2800, s5  }
0x7: {  	s8 =	sshll.u32 s1, $0xB;
	_ =	strace $0x80000047;
	s5 =	ssub.s32 $0x2, s5  }
0x8: {  	p0 =	sgt.u32 s1, $0x4;
	s6 =	sor.u32 s1, s6;
	s31 =	sshrl.u32 s5, $0x1  }
0x9: {  	s13 =	sshll.u32 @!p0 s1, $0x6;
	s6 =	smul.u32 $0x4E2, s6;
	s7 =	sadd.s32 s8, s7  }
0xa: {  	s9 =	ssub.s32 s5, s31;
	s5 =	sadd.s32 s8, s2;
	s13 =	sor.u32 @!p0 $0x1C01, s13  }
0xb: {  	v0 =	vlaneseq.u32;
	s7 =	sshrl.u32 s7, $0x3;
	s14 =	sshrl.u32 @!p0 s5, $0x3;
	s6 =	sadd.s32 s6, s4  }
0xc: {  	v1 =	vimm.f32 $0.0e+00;
	v6 =	vimm.f32 $1.000000000e+00;
	v2 =	vor.u32 $0x10, v0;
	s7 =	sadd.s32 s7, s4;
	s4 =	sadd.s32 $0xC200, s6;
	s6 =	sadd.s32 $0x2780, s8  }
0xd: {  	v3 =	vor.u32 $0x20, v0;
	v4 =	vor.u32 $0x30, v0;
	v5 =	vor.u32 $0x40, v0;
	s7 =	sadd.s32 $0x16000, s7;
	s8 =	smax.u32 s9, $0x1;
	s9 =	simm.s32 $0x1  }
.LBB2_1:
0xe: {  	[tilespmem:s3], [sflag:$0x1] =	stream.linear.gather [hbm4b:s4+s3], $0x2710, $0x38;
	[tilespmem:$0x5280] =	vst v63  }
0xf: {  	s16 =	sand.u32 $0xFE00, s3;
	s17 =	sand.u32 $0x70, s3;
	_ =	swait.ge [sflag:s9], $0x2710  }
0x10: {  	s18 =	sshrl.u32 s16, $0x2;
	s16 =	simm.s32 $0x40;
	[sflag:s9] =	ssyncset.done $0x0  }
0x11: {  	s18 =	sor.u32 s17, s18;
	s17 =	simm.s32 $0x0;
	[sflag:s9] =	ssyncadd.s32 $0xFFFFD8F0  }
.LBB2_2:
0x12: {  	p1 =	sne.s32 s16, $0x9FC0  }
0x13: {  	[tilespmem:s18+$0x2780] =	vst v1;
	s17 =	sadd.s32 $0x10, s17;
	s18 =	smov.u32 s16;
	s16 =	sadd.s32 $0x40, s16  }
.Ltmp0:
0x14: {  	(pc) =	sbr.rel @p1 .LBB2_2-.Ltmp0, $4  }
0x15: {  	_ = 	snop  }
0x16: {  	s18 =	sand.u32 $0xFE00, s18  }
0x17: {  	s19 =	sand.u32 $0x70, s17;
	s18 =	sshrl.u32 s18, $0x2  }
0x18: {  	s18 =	sor.u32 s19, s18  }
0x19: {  	[tilespmem:s18+$0x2780] =	vst v1  }
0x1a: {  	[tilespmem:$0x4F80] =	vst v0  }
0x1b: {  	[tilespmem:$0x4F90] =	vst v2  }
0x1c: {  	[tilespmem:$0x4FA0] =	vst v3  }
0x1d: {  	[tilespmem:$0x4FB0] =	vst v4  }
0x1e: {  	s16 =	simm.s32 @!p0 $0x1;
	[tilespmem:$0x4FC0] =	vst v5  }
0x1f: {  	[spmem:s5] =	stream.linear.scatter @!p0 [tilespmem:s6], [sflag:$0x1], $0x800, $0x38;
	[tilespmem:$0x5280] =	vst v63  }
0x20: {  	_ =	swait.ge @!p0 [sflag:s16], $0x800  }
0x21: {  	[sflag:s16] =	ssyncset.done @!p0 $0x0  }
0x22: {  	[sflag:s16] =	ssyncadd.s32 @!p0 $0xFFFFF800  }
0x23: {  	s17 =	simm.s32 $0x0;
	s16 =	simm.s32 $0x40;
	[bflag:$0x0] =	sbarrier.arrive $0xFFFF  }
.LBB2_4:
0x24: {  	p1 =	sne.s32 s16, $0x9C00;
	v7 =	vld [tilespmem:s17+$0x0];
	_ =	sdelay $0x3  }
.Ltmp1:
0x25: {  	(pc) =	sbr.rel @p1 .LBB2_4-.Ltmp1, $2  }
0x26: {  	_ =	sdelay $0x2  }
0x27: {  	s17 =	sshra.s32 s16, $0x2;
	s16 =	sadd.s32 $0x40, s16;
	[tilespmem:v7+s10+$0x0] =	vst.idx.add.f32.msk $0xffff, v6  }
0x28: {  	v7 =	vld [tilespmem:s17+$0x0];
	_ =	sdelay $0x7  }
0x29: {  	[tilespmem:v7+s10+$0x0] =	vst.idx.add.f32.msk $0xffff, v6  }
0x2a: {  	[spmem:s2] =	stream.indirect.scatter.add.f32 [tilespmem:s10], [sflag:$0x1], $0x80, s12, s11, $0xb8;
	[tilespmem:$0x5280] =	vst v63  }
0x2b: {  	_ =	swait.ge [sflag:s9], $0x2800  }
0x2c: {  	s15 =	sadd.s32 $0x1, s15;
	[sflag:s9] =	ssyncset.done $0x0  }
0x2d: {  	p1 =	sne.s32 s15, s8;
	[sflag:s9] =	ssyncadd.s32 $0xFFFFD800  }
.Ltmp2:
0x2e: {  	s16 =	simm.s32 @!p0 $0x1;
	[bflag:$0x0] =	sbarrier.arrive $0xFFFF;
	(pc) =	sbr.rel @p1 .LBB2_1-.Ltmp2, $4  }
0x2f: {  	[hbm:s7], [sflag:s13] =	dma.local @!p0 [spmem:s14], $0x100  }
0x30: {  	_ =	swait.ge @!p0 [sflag:s16], $0x100  }
0x31: {  	[sflag:s16] =	ssyncset.done @!p0 $0x0  }
0x32: {  	[sflag:s16] =	ssyncadd.s32 @!p0 $0xFFFFFF00  }
0x33: {  	_ =	sfence.sel $0x180000  }
0x34: {  	[bflag:$0x0] =	sbarrier.arrive $0xFFFF  }
0x35: {  	p0 =	sne.s32 s1, $0x0;
	_ =	strace $0x90000047  }
0x36: {  	s0 =	sadd.s32 @!p0 $0x100000, s0;
	[bflag:$0x2] =	sbarrier.arrive $0xFFFF  }
0x37: {  	[sflag:s0] =	ssyncadd.tile.s32 @!p0 $0x1;
	_ =	shalt  }
.Lfunc_end2:
_tile_overlayer_lowered:
.L_overlay_start_2:
0x38: {  	(tag) =	ssettag $0x2  }
0x39: {  	s0 =	rddreg [dreg:$0x0];
	s2 =	stileid.u32  }
0x3a: {  	s1 =	rddreg [dreg:$0x1];
	p0 =	sne.s32 s2, $0x0  }
0x3b: {  	s3 =	rddreg [dreg:$0x2];
	[bflag:$0x3] =	sbarrier.arrive $0xFFFF;
	s2 =	simm.s32 @!p0 $0x1C01  }
0x3c: {  	[timem:s3], [sflag:s2] =	dma.local @!p0 [hbm:s0], s1  }
0x3d: {  	s0 =	simm.s32 @!p0 $0x1  }
0x3e: {  	_ =	swait.ge @!p0 [sflag:s0], s1  }
0x3f: {  	s1 =	ssub.s32 @!p0 $0x0, s1;
	[sflag:s0] =	ssyncset.done @!p0 $0x0  }
0x40: {  	[sflag:s0] =	ssyncadd.s32 @!p0 s1  }
0x41: {  	[bflag:$0x3] =	sbarrier.arrive $0xFFFF  }
0x42: {  	_ =	shalt  }

</sc_bundles>
